<compile_context>
chip_gen: v7x
topology: tpu7x:2x2x1
jax: 0.10.2.dev20260603
libtpu: 0.0.44.dev20260713+nightly
codegen_flags: <defaults>
</compile_context>

<pallas_src>
import functools

import jax
import jax.numpy as jnp
from jax import lax
from jax.experimental import pallas as pl
from jax.experimental.pallas import tpu as pltpu
from jax.experimental.pallas import tpu_sc as plsc

N = 10000
E = 320000
D = 128
HP = 16
NC_OUT = 16

SC_CORES = 2
SC_SUBCORES = 16
NW = SC_CORES * SC_SUBCORES
NP = 10240
SL = NP // SC_SUBCORES
EW = E // NW
ECH = 80
EIT = EW // ECH

_MESH = plsc.VectorSubcoreMesh(
    core_axis_name="c", subcore_axis_name="s",
    num_cores=SC_CORES, num_subcores=SC_SUBCORES)

_F32 = jnp.float32
_I32 = jnp.int32


def _ids():
    c = lax.axis_index("c")
    s = lax.axis_index("s")
    return c, s, s * SC_CORES + c


ROWS_PER_W = NP // NW
GITERS = ROWS_PER_W // ECH


@functools.partial(
    pl.kernel,
    out_type=jax.ShapeDtypeStruct((NP, D), _F32),
    mesh=_MESH,
    name="gat_emb_gather",
    scratch_types=[
        pltpu.VMEM((ECH,), _I32),
        pltpu.VMEM((ECH, D), _F32),
        pltpu.SemaphoreType.DMA,
    ],
)
def _emb_gather(x_hbm, emb_hbm, out_hbm, idx_v, rows_v, sem):
    _, _, w = _ids()

    def body(i, carry):
        base = w * ROWS_PER_W + i * ECH
        pltpu.sync_copy(x_hbm.at[pl.ds(base, ECH)], idx_v)
        pltpu.async_copy(emb_hbm.at[idx_v], rows_v, sem).wait()
        pltpu.sync_copy(rows_v, out_hbm.at[pl.ds(base, ECH)])
        return carry

    lax.fori_loop(0, GITERS, body, 0)


def _make_edge_gather(kname):
    @functools.partial(
        pl.kernel,
        out_type=(
            jax.ShapeDtypeStruct((E, 128), _F32),
            jax.ShapeDtypeStruct((E, 128), _F32),
        ),
        mesh=_MESH,
        name=kname,
        scratch_types=[
            pltpu.VMEM((ECH,), _I32),
            pltpu.VMEM((ECH,), _I32),
            pltpu.VMEM((ECH, 128), _F32),
            pltpu.VMEM((ECH, 128), _F32),
            pltpu.SemaphoreType.DMA,
            pltpu.SemaphoreType.DMA,
        ],
    )
    def edge_gather(src_hbm, dst_hbm, tabs_hbm, tabd_hbm,
                    sb_hbm, db_hbm,
                    sidx, didx, rows_s, rows_d, sem0, sem1):
        _, _, w = _ids()

        def chunk(i, carry):
            base = w * EW + i * ECH
            pltpu.sync_copy(src_hbm.at[pl.ds(base, ECH)], sidx)
            pltpu.sync_copy(dst_hbm.at[pl.ds(base, ECH)], didx)
            pltpu.async_copy(tabs_hbm.at[sidx], rows_s, sem0).wait()
            pltpu.sync_copy(rows_s, sb_hbm.at[pl.ds(base, ECH)])
            pltpu.async_copy(tabd_hbm.at[didx], rows_d, sem1).wait()
            pltpu.sync_copy(rows_d, db_hbm.at[pl.ds(base, ECH)])
            return carry

        lax.fori_loop(0, EIT, chunk, 0)

    return edge_gather


_edge_gather1 = _make_edge_gather("gat_edge_gather_l1")
_edge_gather2 = _make_edge_gather("gat_edge_gather_l2")


def _make_edge_scatter(kname):
    @functools.partial(
        pl.kernel,
        out_type=jax.ShapeDtypeStruct((2, NP, 128), _F32),
        mesh=_MESH,
        name=kname,
        scratch_types=[
            pltpu.VMEM((ECH,), _I32),
            pltpu.VMEM((ECH, 128), _F32),
            pltpu.VMEM_SHARED((NP, 128), _F32),
        ],
    )
    def edge_scatter(dst_hbm, msg_hbm, z128_hbm, accp_hbm,
                     didx, rows, acc_sh):
        c, s, w = _ids()
        sl = pl.ds(s * SL, SL)
        pltpu.sync_copy(z128_hbm.at[sl], acc_sh.at[sl])
        plsc.subcore_barrier()

        def chunk(i, carry):
            base = w * EW + i * ECH
            pltpu.sync_copy(dst_hbm.at[pl.ds(base, ECH)], didx)
            pltpu.sync_copy(msg_hbm.at[pl.ds(base, ECH)], rows)
            pltpu.sync_copy(rows, acc_sh.at[didx], add=True)
            return carry

        lax.fori_loop(0, EIT, chunk, 0)
        plsc.subcore_barrier()
        pltpu.sync_copy(acc_sh.at[sl], accp_hbm.at[c, sl])

    return edge_scatter


_edge_scatter1 = _make_edge_scatter("gat_edge_scatter_l1")
_edge_scatter2 = _make_edge_scatter("gat_edge_scatter_l2")


_BLK = 1024
_GRID = NP // _BLK
_EBLK = 2000
_EGRID = E // _EBLK


def _dense1_body(h0_ref, m1s_ref, m1d_ref, tabs_ref, tabd_ref):
    h0 = h0_ref[...]
    tabs_ref[...] = jnp.dot(h0, m1s_ref[...], preferred_element_type=_F32)
    tabd_ref[...] = jnp.dot(h0, m1d_ref[...], preferred_element_type=_F32)


def _dense1(h0, M1s, M1d):
    return pl.pallas_call(
        _dense1_body,
        grid=(_GRID,),
        in_specs=[
            pl.BlockSpec((_BLK, D), lambda i: (i, 0)),
            pl.BlockSpec((D, 128), lambda i: (0, 0)),
            pl.BlockSpec((D, 128), lambda i: (0, 0)),
        ],
        out_specs=[
            pl.BlockSpec((_BLK, 128), lambda i: (i, 0)),
            pl.BlockSpec((_BLK, 128), lambda i: (i, 0)),
        ],
        out_shape=[
            jax.ShapeDtypeStruct((NP, 128), _F32),
            jax.ShapeDtypeStruct((NP, 128), _F32),
        ],
    )(h0, M1s, M1d)


def _edge_math1_body(sb_ref, db_ref, pexp_ref, o_ref):
    sb = sb_ref[...]
    db = db_ref[...]
    al = sb[:, 0:HP] + db[:, 0:HP]
    al = jnp.where(al > 0, al, 0.2 * al)
    e = jnp.exp(al)
    eexp = jnp.dot(e, pexp_ref[...], preferred_element_type=_F32)
    msg = sb[:, HP:HP + 64] * eexp
    o_ref[...] = jnp.concatenate(
        [msg, e, jnp.zeros((msg.shape[0], 48), _F32)], axis=-1)


def _edge_math1(SB, DB, Pexp):
    return pl.pallas_call(
        _edge_math1_body,
        grid=(_EGRID,),
        in_specs=[
            pl.BlockSpec((_EBLK, 128), lambda i: (i, 0)),
            pl.BlockSpec((_EBLK, 128), lambda i: (i, 0)),
            pl.BlockSpec((HP, 64), lambda i: (0, 0)),
        ],
        out_specs=pl.BlockSpec((_EBLK, 128), lambda i: (i, 0)),
        out_shape=jax.ShapeDtypeStruct((E, 128), _F32),
    )(SB, DB, Pexp)


def _dense2(accp, Pexp, b1_2d, W2, M2s, M2d):
    def body(p_ref, pexp_ref, b1_ref, w2_ref, m2s_ref, m2d_ref,
             tabs_ref, tabd_ref):
        p = p_ref[...]
        a = p[0] + p[1]
        den = a[:, 64:80]
        dex = jnp.dot(den, pexp_ref[...], preferred_element_type=_F32) + 1e-16
        x = a[:, 0:64] / dex + b1_ref[...]
        h2 = jnp.where(x > 0, x, jnp.exp(x) - 1.0)
        g = jnp.dot(h2, w2_ref[...], preferred_element_type=_F32)
        tabs_ref[...] = jnp.dot(g, m2s_ref[...], preferred_element_type=_F32)
        tabd_ref[...] = jnp.dot(g, m2d_ref[...], preferred_element_type=_F32)

    return pl.pallas_call(
        body,
        grid=(_GRID,),
        in_specs=[
            pl.BlockSpec((2, _BLK, 128), lambda i: (0, i, 0)),
            pl.BlockSpec((HP, 64), lambda i: (0, 0)),
            pl.BlockSpec((1, 64), lambda i: (0, 0)),
            pl.BlockSpec((64, NC_OUT), lambda i: (0, 0)),
            pl.BlockSpec((NC_OUT, 128), lambda i: (0, 0)),
            pl.BlockSpec((NC_OUT, 128), lambda i: (0, 0)),
        ],
        out_specs=[
            pl.BlockSpec((_BLK, 128), lambda i: (i, 0)),
            pl.BlockSpec((_BLK, 128), lambda i: (i, 0)),
        ],
        out_shape=[
            jax.ShapeDtypeStruct((NP, 128), _F32),
            jax.ShapeDtypeStruct((NP, 128), _F32),
        ],
    )(accp, Pexp, b1_2d, W2, M2s, M2d)


def _edge_math2_body(sb_ref, db_ref, o_ref):
    sb = sb_ref[...]
    db = db_ref[...]
    al = sb[:, 0:HP] + db[:, 0:HP]
    al = jnp.where(al > 0, al, 0.2 * al)
    e = jnp.exp(al)
    m = sb[:, HP:HP + NC_OUT] * e[:, 0:1]
    o_ref[...] = jnp.concatenate(
        [m, e, jnp.zeros((m.shape[0], 128 - NC_OUT - HP), _F32)], axis=-1)


def _edge_math2(SB, DB):
    return pl.pallas_call(
        _edge_math2_body,
        grid=(_EGRID,),
        in_specs=[
            pl.BlockSpec((_EBLK, 128), lambda i: (i, 0)),
            pl.BlockSpec((_EBLK, 128), lambda i: (i, 0)),
        ],
        out_specs=pl.BlockSpec((_EBLK, 128), lambda i: (i, 0)),
        out_shape=jax.ShapeDtypeStruct((E, 128), _F32),
    )(SB, DB)


def _final_body(p_ref, b2_ref, o_ref):
    p = p_ref[...]
    a = p[0] + p[1]
    x = a[:, 0:NC_OUT] / (a[:, NC_OUT:NC_OUT + 1] + 1e-16) + b2_ref[...]
    m = jnp.max(x, axis=-1, keepdims=True)
    sub = x - m
    o_ref[...] = sub - jnp.log(jnp.sum(jnp.exp(sub), axis=-1, keepdims=True))


def _final(accp, b2_2d):
    return pl.pallas_call(
        _final_body,
        grid=(_GRID,),
        in_specs=[
            pl.BlockSpec((2, _BLK, 128), lambda i: (0, i, 0)),
            pl.BlockSpec((1, NC_OUT), lambda i: (0, 0)),
        ],
        out_specs=pl.BlockSpec((_BLK, NC_OUT), lambda i: (i, 0)),
        out_shape=jax.ShapeDtypeStruct((N, NC_OUT), _F32),
    )(accp, b2_2d)


def kernel(x, edge_index, emb, W1, a_src1, a_dst1, b1, W2, a_src2, a_dst2, b2):
    src = edge_index[0].astype(_I32)
    dst = edge_index[1].astype(_I32)
    xpad = jnp.zeros((NP,), _I32).at[:N].set(x[:, 0].astype(_I32))

    rows = jnp.arange(64, dtype=_I32)
    A1s = jnp.zeros((64, HP), _F32).at[rows, rows // 8].set(a_src1.reshape(64))
    A1d = jnp.zeros((64, HP), _F32).at[rows, rows // 8].set(a_dst1.reshape(64))
    M1s = jnp.zeros((D, 128), _F32).at[:, 0:HP].set(W1 @ A1s).at[:, HP:HP + 64].set(W1)
    M1d = jnp.zeros((D, 128), _F32).at[:, 0:HP].set(W1 @ A1d)
    C2s = jnp.zeros((NC_OUT, HP), _F32).at[:, 0].set(a_src2[0])
    C2d = jnp.zeros((NC_OUT, HP), _F32).at[:, 0].set(a_dst2[0])
    M2s = jnp.zeros((NC_OUT, 128), _F32).at[:, 0:HP].set(C2s)
    M2s = M2s.at[:, HP:HP + NC_OUT].set(jnp.eye(NC_OUT, dtype=_F32))
    M2d = jnp.zeros((NC_OUT, 128), _F32).at[:, 0:HP].set(C2d)
    Pexp = jnp.zeros((HP, 64), _F32).at[jnp.arange(64) // 8, jnp.arange(64)].set(1.0)
    z128 = jnp.zeros((NP, 128), _F32)

    h0 = _emb_gather(xpad, emb)
    tab1s, tab1d = _dense1(h0, M1s, M1d)
    SB1, DB1 = _edge_gather1(src, dst, tab1s, tab1d)
    MSG1 = _edge_math1(SB1, DB1, Pexp)
    acc1 = _edge_scatter1(dst, MSG1, z128)
    tab2s, tab2d = _dense2(acc1, Pexp, b1.reshape(1, 64), W2, M2s, M2d)
    SB2, DB2 = _edge_gather2(src, dst, tab2s, tab2d)
    MSG2 = _edge_math2(SB2, DB2)
    acc2 = _edge_scatter2(dst, MSG2, z128)
    return _final(acc2, b2.reshape(1, NC_OUT))

# --- scband reference (transcript-rebuilt; emitter-appended) ---
"""Pipeline reference for scband-gat-19782619365933 (READ-ONLY COPY).

The authoritative reference and input builder live on the scoring server;
editing this copy changes nothing except your own understanding.
"""

import jax, jax.numpy as jnp
import numpy as np

N = 10000
E = 320000
VOCAB = 100000
D = 128
HEADS = 8
HID = 8
NC = 16


def gat_conv(x, edge_index, W, att_src, att_dst, bias, heads, out_ch, concat, num_nodes):
    # x: [N, in], W: [in, heads*out_ch], att_src/att_dst: [heads, out_ch], bias: [heads*out_ch] or [out_ch]
    h = (x @ W).reshape(-1, heads, out_ch)
    src = edge_index[0]
    dst = edge_index[1]
    alpha_src = jnp.sum(h * att_src[None, :, :], axis=-1)  # [N, heads]
    alpha_dst = jnp.sum(h * att_dst[None, :, :], axis=-1)  # [N, heads]
    alpha = alpha_src[src] + alpha_dst[dst]  # [E, heads]
    alpha = jax.nn.leaky_relu(alpha, 0.2)
    # softmax over incoming edges of each dst node (segment softmax)
    amax = jax.lax.stop_gradient(jax.ops.segment_max(alpha, dst, num_segments=num_nodes))
    amax = jnp.where(jnp.isfinite(amax), amax, 0.0)
    e = jnp.exp(alpha - amax[dst])
    denom = jax.ops.segment_sum(e, dst, num_segments=num_nodes)
    a = e / (denom[dst] + 1e-16)
    msg = h[src] * a[:, :, None]  # [E, heads, out_ch]
    out = jax.ops.segment_sum(msg, dst, num_segments=num_nodes)  # [N, heads, out_ch]
    if concat:
        out = out.reshape(num_nodes, heads * out_ch)
    else:
        out = out.mean(axis=1)
    return out + bias


def setup_inputs(seed: int = 0):
    key = jax.random.key(seed)
    ks = jax.random.split(key, 12)
    x = jax.random.randint(ks[0], (N, 1), 0, VOCAB)
    edge_index = jax.random.randint(ks[1], (2, E), 0, N)
    emb = jax.random.normal(ks[2], (VOCAB, D), dtype=jnp.float32) * 0.02
    W1 = jax.random.normal(ks[3], (D, HEADS * HID), dtype=jnp.float32) * (1.0 / np.sqrt(D))
    a_src1 = jax.random.normal(ks[4], (HEADS, HID), dtype=jnp.float32) * 0.1
    a_dst1 = jax.random.normal(ks[5], (HEADS, HID), dtype=jnp.float32) * 0.1
    b1 = jax.random.normal(ks[6], (HEADS * HID,), dtype=jnp.float32) * 0.01
    W2 = jax.random.normal(ks[7], (HEADS * HID, 1 * NC), dtype=jnp.float32) * (1.0 / np.sqrt(HEADS * HID))
    a_src2 = jax.random.normal(ks[8], (1, NC), dtype=jnp.float32) * 0.1
    a_dst2 = jax.random.normal(ks[9], (1, NC), dtype=jnp.float32) * 0.1
    b2 = jax.random.normal(ks[10], (NC,), dtype=jnp.float32) * 0.01
    return {"x": x, "edge_index": edge_index, "emb": emb, "W1": W1, "a_src1": a_src1, "a_dst1": a_dst1, "b1": b1, "W2": W2, "a_src2": a_src2, "a_dst2": a_dst2, "b2": b2}


def reference(x, edge_index, emb, W1, a_src1, a_dst1, b1, W2, a_src2, a_dst2, b2):
    # embedding lookup + squeeze (dropout is identity in eval)
    h = emb[x[:, 0]]  # [N, D]
    h = jax.nn.elu(gat_conv(h, edge_index, W1, a_src1, a_dst1, b1, HEADS, HID, True, N))
    out = gat_conv(h, edge_index, W2, a_src2, a_dst2, b2, 1, NC, False, N)
    return jax.nn.log_softmax(out, axis=-1)

if __name__ == "__main__":
    import jax
    _d = setup_inputs()
    print(jax.jit(kernel)(*tuple(_d.values())))

</pallas_src>

<mosaic_0001>
#map = affine_map<(d0, d1) -> (0)>
#map1 = affine_map<(d0, d1) -> (0, 0)>
module attributes {stable_mosaic.version = 14 : i64} {
  func.func @gat_edge_gather_l1(%arg0: i32, %arg1: i32, %arg2: memref<320000xi32, #tpu.memory_space<hbm>>, %arg3: memref<320000xi32, #tpu.memory_space<hbm>>, %arg4: memref<10240x128xf32, #tpu.memory_space<hbm>>, %arg5: memref<10240x128xf32, #tpu.memory_space<hbm>>, %arg6: memref<320000x128xf32, #tpu.memory_space<hbm>>, %arg7: memref<320000x128xf32, #tpu.memory_space<hbm>>, %arg8: memref<80xi32, #tpu.memory_space<vmem>>, %arg9: memref<80xi32, #tpu.memory_space<vmem>>, %arg10: memref<80x128xf32, #tpu.memory_space<vmem>>, %arg11: memref<80x128xf32, #tpu.memory_space<vmem>>, %arg12: memref<!tpu.dma_semaphore, #tpu.memory_space<semaphore_mem>>, %arg13: memref<!tpu.dma_semaphore, #tpu.memory_space<semaphore_mem>>) attributes {dimension_semantics = [#tpu.dimension_semantics<core_parallel>, #tpu.dimension_semantics<subcore_parallel>], iteration_bounds = array<i64: 2, 16>, scalar_prefetch = 0 : i64, scratch_operands = 6 : i64, tpu.core_type = #tpu.core_type<sc_vector_subcore>, window_params = [{transform_indices = #map}, {transform_indices = #map}, {transform_indices = #map1}, {transform_indices = #map1}, {transform_indices = #map1}, {transform_indices = #map1}]} {
    %mul3A = arith.constant 2 : i32
    %mul3A_0 = arith.muli %arg1, %mul3A : i32
    %add3A = arith.addi %mul3A_0, %arg0 : i32
    %scan3A = arith.constant 0 : i32
    %scan3A_1 = arith.constant 0 : i32
    %scan3A_2 = arith.constant 125 : i32
    %scan3A_3 = arith.addi %scan3A_1, %scan3A_2 : i32
    %scan3A_4 = arith.constant 1 : i32
    scf.for %scan3A_6 = %scan3A_1 to %scan3A_3 step %scan3A_4  : i32 {
      %mul3A_7 = arith.constant 10000 : i32
      %mul3A_8 = arith.muli %add3A, %mul3A_7 : i32
      %mul3A_9 = arith.constant 80 : i32
      %mul3A_10 = arith.muli %scan3A_6, %mul3A_9 : i32
      %add3A_11 = arith.addi %mul3A_8, %mul3A_10 : i32
      "tpu.region"() ({
        %run_scoped3A = tpu.sem_alloc : memref<!tpu.dma_semaphore, #tpu.memory_space<semaphore_mem>>
        %dma_start3A_22 = tpu.memref_slice %arg2[%add3A_11] : memref<320000xi32, #tpu.memory_space<hbm>> -> memref<80xi32, #tpu.memory_space<hbm>>
        %dma_start3A_23 = tpu.memref_slice %arg2[%add3A_11] : memref<320000xi32, #tpu.memory_space<hbm>> -> memref<80xi32, #tpu.memory_space<hbm>>
        tpu.enqueue_dma source(%dma_start3A_23 : memref<80xi32, #tpu.memory_space<hbm>>) target(%arg8 : memref<80xi32, #tpu.memory_space<vmem>>) target_semaphore(%run_scoped3A : memref<!tpu.dma_semaphore, #tpu.memory_space<semaphore_mem>>)
        %dma_wait3A_24 = tpu.memref_slice %arg2[%add3A_11] : memref<320000xi32, #tpu.memory_space<hbm>> -> memref<80xi32, #tpu.memory_space<hbm>>
        %dma_wait3A_25 = tpu.memref_slice %arg2[%add3A_11] : memref<320000xi32, #tpu.memory_space<hbm>> -> memref<80xi32, #tpu.memory_space<hbm>>
        tpu.wait_dma2 semaphore(%run_scoped3A : memref<!tpu.dma_semaphore, #tpu.memory_space<semaphore_mem>>) src(%dma_wait3A_25 : memref<80xi32, #tpu.memory_space<hbm>>) dst(%arg8 : memref<80xi32, #tpu.memory_space<vmem>>)
        tpu.yield
      }) : () -> ()
      "tpu.region"() ({
        %run_scoped3A = tpu.sem_alloc : memref<!tpu.dma_semaphore, #tpu.memory_space<semaphore_mem>>
        %dma_start3A_22 = tpu.memref_slice %arg3[%add3A_11] : memref<320000xi32, #tpu.memory_space<hbm>> -> memref<80xi32, #tpu.memory_space<hbm>>
        %dma_start3A_23 = tpu.memref_slice %arg3[%add3A_11] : memref<320000xi32, #tpu.memory_space<hbm>> -> memref<80xi32, #tpu.memory_space<hbm>>
        tpu.enqueue_dma source(%dma_start3A_23 : memref<80xi32, #tpu.memory_space<hbm>>) target(%arg9 : memref<80xi32, #tpu.memory_space<vmem>>) target_semaphore(%run_scoped3A : memref<!tpu.dma_semaphore, #tpu.memory_space<semaphore_mem>>)
        %dma_wait3A_24 = tpu.memref_slice %arg3[%add3A_11] : memref<320000xi32, #tpu.memory_space<hbm>> -> memref<80xi32, #tpu.memory_space<hbm>>
        %dma_wait3A_25 = tpu.memref_slice %arg3[%add3A_11] : memref<320000xi32, #tpu.memory_space<hbm>> -> memref<80xi32, #tpu.memory_space<hbm>>
        tpu.wait_dma2 semaphore(%run_scoped3A : memref<!tpu.dma_semaphore, #tpu.memory_space<semaphore_mem>>) src(%dma_wait3A_25 : memref<80xi32, #tpu.memory_space<hbm>>) dst(%arg9 : memref<80xi32, #tpu.memory_space<vmem>>)
        tpu.yield
      }) : () -> ()
      %dma_start3A = arith.constant 0 : i32
      %dma_start3A_12 = arith.constant 0 : i32
      %dma_start3A_13 = tpu.memref_slice %arg4[%dma_start3A, %dma_start3A_12] : memref<10240x128xf32, #tpu.memory_space<hbm>> -> memref<10240x128xf32, #tpu.memory_space<hbm>>
      tpu.enqueue_indirect_dma source(%dma_start3A_13 : memref<10240x128xf32, #tpu.memory_space<hbm>>) target(%arg10 : memref<80x128xf32, #tpu.memory_space<vmem>>) offsets(%arg8 : memref<80xi32, #tpu.memory_space<vmem>>) semaphore(%arg12 : memref<!tpu.dma_semaphore, #tpu.memory_space<semaphore_mem>>)
      %dma_wait3A = arith.constant 0 : i32
      %dma_wait3A_14 = arith.constant 0 : i32
      %dma_wait3A_15 = tpu.memref_slice %arg4[%dma_wait3A, %dma_wait3A_14] : memref<10240x128xf32, #tpu.memory_space<hbm>> -> memref<10240x128xf32, #tpu.memory_space<hbm>>
      tpu.wait_indirect_dma semaphore(%arg12 : memref<!tpu.dma_semaphore, #tpu.memory_space<semaphore_mem>>) src(%dma_wait3A_15 : memref<10240x128xf32, #tpu.memory_space<hbm>>) dst(%arg10 : memref<80x128xf32, #tpu.memory_space<vmem>>)
      "tpu.region"() ({
        %run_scoped3A = tpu.sem_alloc : memref<!tpu.dma_semaphore, #tpu.memory_space<semaphore_mem>>
        %dma_start3A_22 = arith.constant 0 : i32
        %dma_start3A_23 = tpu.memref_slice %arg6[%add3A_11, %dma_start3A_22] : memref<320000x128xf32, #tpu.memory_space<hbm>> -> memref<80x128xf32, #tpu.memory_space<hbm>>
        %dma_start3A_24 = arith.constant 0 : i32
        %dma_start3A_25 = tpu.memref_slice %arg6[%add3A_11, %dma_start3A_24] : memref<320000x128xf32, #tpu.memory_space<hbm>> -> memref<80x128xf32, #tpu.memory_space<hbm>>
        tpu.enqueue_dma source(%arg10 : memref<80x128xf32, #tpu.memory_space<vmem>>) target(%dma_start3A_25 : memref<80x128xf32, #tpu.memory_space<hbm>>) target_semaphore(%run_scoped3A : memref<!tpu.dma_semaphore, #tpu.memory_space<semaphore_mem>>)
        %dma_wait3A_26 = arith.constant 0 : i32
        %dma_wait3A_27 = tpu.memref_slice %arg6[%add3A_11, %dma_wait3A_26] : memref<320000x128xf32, #tpu.memory_space<hbm>> -> memref<80x128xf32, #tpu.memory_space<hbm>>
        %dma_wait3A_28 = arith.constant 0 : i32
        %dma_wait3A_29 = tpu.memref_slice %arg6[%add3A_11, %dma_wait3A_28] : memref<320000x128xf32, #tpu.memory_space<hbm>> -> memref<80x128xf32, #tpu.memory_space<hbm>>
        tpu.wait_dma2 semaphore(%run_scoped3A : memref<!tpu.dma_semaphore, #tpu.memory_space<semaphore_mem>>) src(%arg10 : memref<80x128xf32, #tpu.memory_space<vmem>>) dst(%dma_wait3A_29 : memref<80x128xf32, #tpu.memory_space<hbm>>)
        tpu.yield
      }) : () -> ()
      %dma_start3A_16 = arith.constant 0 : i32
      %dma_start3A_17 = arith.constant 0 : i32
      %dma_start3A_18 = tpu.memref_slice %arg5[%dma_start3A_16, %dma_start3A_17] : memref<10240x128xf32, #tpu.memory_space<hbm>> -> memref<10240x128xf32, #tpu.memory_space<hbm>>
      tpu.enqueue_indirect_dma source(%dma_start3A_18 : memref<10240x128xf32, #tpu.memory_space<hbm>>) target(%arg11 : memref<80x128xf32, #tpu.memory_space<vmem>>) offsets(%arg9 : memref<80xi32, #tpu.memory_space<vmem>>) semaphore(%arg13 : memref<!tpu.dma_semaphore, #tpu.memory_space<semaphore_mem>>)
      %dma_wait3A_19 = arith.constant 0 : i32
      %dma_wait3A_20 = arith.constant 0 : i32
      %dma_wait3A_21 = tpu.memref_slice %arg5[%dma_wait3A_19, %dma_wait3A_20] : memref<10240x128xf32, #tpu.memory_space<hbm>> -> memref<10240x128xf32, #tpu.memory_space<hbm>>
      tpu.wait_indirect_dma semaphore(%arg13 : memref<!tpu.dma_semaphore, #tpu.memory_space<semaphore_mem>>) src(%dma_wait3A_21 : memref<10240x128xf32, #tpu.memory_space<hbm>>) dst(%arg11 : memref<80x128xf32, #tpu.memory_space<vmem>>)
      "tpu.region"() ({
        %run_scoped3A = tpu.sem_alloc : memref<!tpu.dma_semaphore, #tpu.memory_space<semaphore_mem>>
        %dma_start3A_22 = arith.constant 0 : i32
        %dma_start3A_23 = tpu.memref_slice %arg7[%add3A_11, %dma_start3A_22] : memref<320000x128xf32, #tpu.memory_space<hbm>> -> memref<80x128xf32, #tpu.memory_space<hbm>>
        %dma_start3A_24 = arith.constant 0 : i32
        %dma_start3A_25 = tpu.memref_slice %arg7[%add3A_11, %dma_start3A_24] : memref<320000x128xf32, #tpu.memory_space<hbm>> -> memref<80x128xf32, #tpu.memory_space<hbm>>
        tpu.enqueue_dma source(%arg11 : memref<80x128xf32, #tpu.memory_space<vmem>>) target(%dma_start3A_25 : memref<80x128xf32, #tpu.memory_space<hbm>>) target_semaphore(%run_scoped3A : memref<!tpu.dma_semaphore, #tpu.memory_space<semaphore_mem>>)
        %dma_wait3A_26 = arith.constant 0 : i32
        %dma_wait3A_27 = tpu.memref_slice %arg7[%add3A_11, %dma_wait3A_26] : memref<320000x128xf32, #tpu.memory_space<hbm>> -> memref<80x128xf32, #tpu.memory_space<hbm>>
        %dma_wait3A_28 = arith.constant 0 : i32
        %dma_wait3A_29 = tpu.memref_slice %arg7[%add3A_11, %dma_wait3A_28] : memref<320000x128xf32, #tpu.memory_space<hbm>> -> memref<80x128xf32, #tpu.memory_space<hbm>>
        tpu.wait_dma2 semaphore(%run_scoped3A : memref<!tpu.dma_semaphore, #tpu.memory_space<semaphore_mem>>) src(%arg11 : memref<80x128xf32, #tpu.memory_space<vmem>>) dst(%dma_wait3A_29 : memref<80x128xf32, #tpu.memory_space<hbm>>)
        tpu.yield
      }) : () -> ()
    }
    %scan3A_5 = arith.constant 125 : i32
    return
  }
}

#map = affine_map<(d0, d1) -> (0)>
#map1 = affine_map<(d0, d1) -> (0, 0)>
module attributes {stable_mosaic.version = 14 : i64} {
  func.func @gat_edge_gather_l2(%arg0: i32, %arg1: i32, %arg2: memref<320000xi32, #tpu.memory_space<hbm>>, %arg3: memref<320000xi32, #tpu.memory_space<hbm>>, %arg4: memref<10240x128xf32, #tpu.memory_space<hbm>>, %arg5: memref<10240x128xf32, #tpu.memory_space<hbm>>, %arg6: memref<320000x128xf32, #tpu.memory_space<hbm>>, %arg7: memref<320000x128xf32, #tpu.memory_space<hbm>>, %arg8: memref<80xi32, #tpu.memory_space<vmem>>, %arg9: memref<80xi32, #tpu.memory_space<vmem>>, %arg10: memref<80x128xf32, #tpu.memory_space<vmem>>, %arg11: memref<80x128xf32, #tpu.memory_space<vmem>>, %arg12: memref<!tpu.dma_semaphore, #tpu.memory_space<semaphore_mem>>, %arg13: memref<!tpu.dma_semaphore, #tpu.memory_space<semaphore_mem>>) attributes {dimension_semantics = [#tpu.dimension_semantics<core_parallel>, #tpu.dimension_semantics<subcore_parallel>], iteration_bounds = array<i64: 2, 16>, scalar_prefetch = 0 : i64, scratch_operands = 6 : i64, tpu.core_type = #tpu.core_type<sc_vector_subcore>, window_params = [{transform_indices = #map}, {transform_indices = #map}, {transform_indices = #map1}, {transform_indices = #map1}, {transform_indices = #map1}, {transform_indices = #map1}]} {
    %mul3A = arith.constant 2 : i32
    %mul3A_0 = arith.muli %arg1, %mul3A : i32
    %add3A = arith.addi %mul3A_0, %arg0 : i32
    %scan3A = arith.constant 0 : i32
    %scan3A_1 = arith.constant 0 : i32
    %scan3A_2 = arith.constant 125 : i32
    %scan3A_3 = arith.addi %scan3A_1, %scan3A_2 : i32
    %scan3A_4 = arith.constant 1 : i32
    scf.for %scan3A_6 = %scan3A_1 to %scan3A_3 step %scan3A_4  : i32 {
      %mul3A_7 = arith.constant 10000 : i32
      %mul3A_8 = arith.muli %add3A, %mul3A_7 : i32
      %mul3A_9 = arith.constant 80 : i32
      %mul3A_10 = arith.muli %scan3A_6, %mul3A_9 : i32
      %add3A_11 = arith.addi %mul3A_8, %mul3A_10 : i32
      "tpu.region"() ({
        %run_scoped3A = tpu.sem_alloc : memref<!tpu.dma_semaphore, #tpu.memory_space<semaphore_mem>>
        %dma_start3A_22 = tpu.memref_slice %arg2[%add3A_11] : memref<320000xi32, #tpu.memory_space<hbm>> -> memref<80xi32, #tpu.memory_space<hbm>>
        %dma_start3A_23 = tpu.memref_slice %arg2[%add3A_11] : memref<320000xi32, #tpu.memory_space<hbm>> -> memref<80xi32, #tpu.memory_space<hbm>>
        tpu.enqueue_dma source(%dma_start3A_23 : memref<80xi32, #tpu.memory_space<hbm>>) target(%arg8 : memref<80xi32, #tpu.memory_space<vmem>>) target_semaphore(%run_scoped3A : memref<!tpu.dma_semaphore, #tpu.memory_space<semaphore_mem>>)
        %dma_wait3A_24 = tpu.memref_slice %arg2[%add3A_11] : memref<320000xi32, #tpu.memory_space<hbm>> -> memref<80xi32, #tpu.memory_space<hbm>>
        %dma_wait3A_25 = tpu.memref_slice %arg2[%add3A_11] : memref<320000xi32, #tpu.memory_space<hbm>> -> memref<80xi32, #tpu.memory_space<hbm>>
        tpu.wait_dma2 semaphore(%run_scoped3A : memref<!tpu.dma_semaphore, #tpu.memory_space<semaphore_mem>>) src(%dma_wait3A_25 : memref<80xi32, #tpu.memory_space<hbm>>) dst(%arg8 : memref<80xi32, #tpu.memory_space<vmem>>)
        tpu.yield
      }) : () -> ()
      "tpu.region"() ({
        %run_scoped3A = tpu.sem_alloc : memref<!tpu.dma_semaphore, #tpu.memory_space<semaphore_mem>>
        %dma_start3A_22 = tpu.memref_slice %arg3[%add3A_11] : memref<320000xi32, #tpu.memory_space<hbm>> -> memref<80xi32, #tpu.memory_space<hbm>>
        %dma_start3A_23 = tpu.memref_slice %arg3[%add3A_11] : memref<320000xi32, #tpu.memory_space<hbm>> -> memref<80xi32, #tpu.memory_space<hbm>>
        tpu.enqueue_dma source(%dma_start3A_23 : memref<80xi32, #tpu.memory_space<hbm>>) target(%arg9 : memref<80xi32, #tpu.memory_space<vmem>>) target_semaphore(%run_scoped3A : memref<!tpu.dma_semaphore, #tpu.memory_space<semaphore_mem>>)
        %dma_wait3A_24 = tpu.memref_slice %arg3[%add3A_11] : memref<320000xi32, #tpu.memory_space<hbm>> -> memref<80xi32, #tpu.memory_space<hbm>>
        %dma_wait3A_25 = tpu.memref_slice %arg3[%add3A_11] : memref<320000xi32, #tpu.memory_space<hbm>> -> memref<80xi32, #tpu.memory_space<hbm>>
        tpu.wait_dma2 semaphore(%run_scoped3A : memref<!tpu.dma_semaphore, #tpu.memory_space<semaphore_mem>>) src(%dma_wait3A_25 : memref<80xi32, #tpu.memory_space<hbm>>) dst(%arg9 : memref<80xi32, #tpu.memory_space<vmem>>)
        tpu.yield
      }) : () -> ()
      %dma_start3A = arith.constant 0 : i32
      %dma_start3A_12 = arith.constant 0 : i32
      %dma_start3A_13 = tpu.memref_slice %arg4[%dma_start3A, %dma_start3A_12] : memref<10240x128xf32, #tpu.memory_space<hbm>> -> memref<10240x128xf32, #tpu.memory_space<hbm>>
      tpu.enqueue_indirect_dma source(%dma_start3A_13 : memref<10240x128xf32, #tpu.memory_space<hbm>>) target(%arg10 : memref<80x128xf32, #tpu.memory_space<vmem>>) offsets(%arg8 : memref<80xi32, #tpu.memory_space<vmem>>) semaphore(%arg12 : memref<!tpu.dma_semaphore, #tpu.memory_space<semaphore_mem>>)
      %dma_wait3A = arith.constant 0 : i32
      %dma_wait3A_14 = arith.constant 0 : i32
      %dma_wait3A_15 = tpu.memref_slice %arg4[%dma_wait3A, %dma_wait3A_14] : memref<10240x128xf32, #tpu.memory_space<hbm>> -> memref<10240x128xf32, #tpu.memory_space<hbm>>
      tpu.wait_indirect_dma semaphore(%arg12 : memref<!tpu.dma_semaphore, #tpu.memory_space<semaphore_mem>>) src(%dma_wait3A_15 : memref<10240x128xf32, #tpu.memory_space<hbm>>) dst(%arg10 : memref<80x128xf32, #tpu.memory_space<vmem>>)
      "tpu.region"() ({
        %run_scoped3A = tpu.sem_alloc : memref<!tpu.dma_semaphore, #tpu.memory_space<semaphore_mem>>
        %dma_start3A_22 = arith.constant 0 : i32
        %dma_start3A_23 = tpu.memref_slice %arg6[%add3A_11, %dma_start3A_22] : memref<320000x128xf32, #tpu.memory_space<hbm>> -> memref<80x128xf32, #tpu.memory_space<hbm>>
        %dma_start3A_24 = arith.constant 0 : i32
        %dma_start3A_25 = tpu.memref_slice %arg6[%add3A_11, %dma_start3A_24] : memref<320000x128xf32, #tpu.memory_space<hbm>> -> memref<80x128xf32, #tpu.memory_space<hbm>>
        tpu.enqueue_dma source(%arg10 : memref<80x128xf32, #tpu.memory_space<vmem>>) target(%dma_start3A_25 : memref<80x128xf32, #tpu.memory_space<hbm>>) target_semaphore(%run_scoped3A : memref<!tpu.dma_semaphore, #tpu.memory_space<semaphore_mem>>)
        %dma_wait3A_26 = arith.constant 0 : i32
        %dma_wait3A_27 = tpu.memref_slice %arg6[%add3A_11, %dma_wait3A_26] : memref<320000x128xf32, #tpu.memory_space<hbm>> -> memref<80x128xf32, #tpu.memory_space<hbm>>
        %dma_wait3A_28 = arith.constant 0 : i32
        %dma_wait3A_29 = tpu.memref_slice %arg6[%add3A_11, %dma_wait3A_28] : memref<320000x128xf32, #tpu.memory_space<hbm>> -> memref<80x128xf32, #tpu.memory_space<hbm>>
        tpu.wait_dma2 semaphore(%run_scoped3A : memref<!tpu.dma_semaphore, #tpu.memory_space<semaphore_mem>>) src(%arg10 : memref<80x128xf32, #tpu.memory_space<vmem>>) dst(%dma_wait3A_29 : memref<80x128xf32, #tpu.memory_space<hbm>>)
        tpu.yield
      }) : () -> ()
      %dma_start3A_16 = arith.constant 0 : i32
      %dma_start3A_17 = arith.constant 0 : i32
      %dma_start3A_18 = tpu.memref_slice %arg5[%dma_start3A_16, %dma_start3A_17] : memref<10240x128xf32, #tpu.memory_space<hbm>> -> memref<10240x128xf32, #tpu.memory_space<hbm>>
      tpu.enqueue_indirect_dma source(%dma_start3A_18 : memref<10240x128xf32, #tpu.memory_space<hbm>>) target(%arg11 : memref<80x128xf32, #tpu.memory_space<vmem>>) offsets(%arg9 : memref<80xi32, #tpu.memory_space<vmem>>) semaphore(%arg13 : memref<!tpu.dma_semaphore, #tpu.memory_space<semaphore_mem>>)
      %dma_wait3A_19 = arith.constant 0 : i32
      %dma_wait3A_20 = arith.constant 0 : i32
      %dma_wait3A_21 = tpu.memref_slice %arg5[%dma_wait3A_19, %dma_wait3A_20] : memref<10240x128xf32, #tpu.memory_space<hbm>> -> memref<10240x128xf32, #tpu.memory_space<hbm>>
      tpu.wait_indirect_dma semaphore(%arg13 : memref<!tpu.dma_semaphore, #tpu.memory_space<semaphore_mem>>) src(%dma_wait3A_21 : memref<10240x128xf32, #tpu.memory_space<hbm>>) dst(%arg11 : memref<80x128xf32, #tpu.memory_space<vmem>>)
      "tpu.region"() ({
        %run_scoped3A = tpu.sem_alloc : memref<!tpu.dma_semaphore, #tpu.memory_space<semaphore_mem>>
        %dma_start3A_22 = arith.constant 0 : i32
        %dma_start3A_23 = tpu.memref_slice %arg7[%add3A_11, %dma_start3A_22] : memref<320000x128xf32, #tpu.memory_space<hbm>> -> memref<80x128xf32, #tpu.memory_space<hbm>>
        %dma_start3A_24 = arith.constant 0 : i32
        %dma_start3A_25 = tpu.memref_slice %arg7[%add3A_11, %dma_start3A_24] : memref<320000x128xf32, #tpu.memory_space<hbm>> -> memref<80x128xf32, #tpu.memory_space<hbm>>
        tpu.enqueue_dma source(%arg11 : memref<80x128xf32, #tpu.memory_space<vmem>>) target(%dma_start3A_25 : memref<80x128xf32, #tpu.memory_space<hbm>>) target_semaphore(%run_scoped3A : memref<!tpu.dma_semaphore, #tpu.memory_space<semaphore_mem>>)
        %dma_wait3A_26 = arith.constant 0 : i32
        %dma_wait3A_27 = tpu.memref_slice %arg7[%add3A_11, %dma_wait3A_26] : memref<320000x128xf32, #tpu.memory_space<hbm>> -> memref<80x128xf32, #tpu.memory_space<hbm>>
        %dma_wait3A_28 = arith.constant 0 : i32
        %dma_wait3A_29 = tpu.memref_slice %arg7[%add3A_11, %dma_wait3A_28] : memref<320000x128xf32, #tpu.memory_space<hbm>> -> memref<80x128xf32, #tpu.memory_space<hbm>>
        tpu.wait_dma2 semaphore(%run_scoped3A : memref<!tpu.dma_semaphore, #tpu.memory_space<semaphore_mem>>) src(%arg11 : memref<80x128xf32, #tpu.memory_space<vmem>>) dst(%dma_wait3A_29 : memref<80x128xf32, #tpu.memory_space<hbm>>)
        tpu.yield
      }) : () -> ()
    }
    %scan3A_5 = arith.constant 125 : i32
    return
  }
}

#map = affine_map<(d0, d1) -> (0)>
#map1 = affine_map<(d0, d1) -> (0, 0)>
#map2 = affine_map<(d0, d1) -> (0, 0, 0)>
module attributes {stable_mosaic.version = 14 : i64} {
  func.func @gat_edge_scatter_l1(%arg0: i32, %arg1: i32, %arg2: memref<320000xi32, #tpu.memory_space<hbm>>, %arg3: memref<320000x128xf32, #tpu.memory_space<hbm>>, %arg4: memref<10240x128xf32, #tpu.memory_space<hbm>>, %arg5: memref<2x10240x128xf32, #tpu.memory_space<hbm>>, %arg6: memref<80xi32, #tpu.memory_space<vmem>>, %arg7: memref<80x128xf32, #tpu.memory_space<vmem>>, %arg8: memref<10240x128xf32, #tpu.memory_space<vmem_shared>>) attributes {dimension_semantics = [#tpu.dimension_semantics<core_parallel>, #tpu.dimension_semantics<subcore_parallel>], iteration_bounds = array<i64: 2, 16>, scalar_prefetch = 0 : i64, scratch_operands = 3 : i64, tpu.core_type = #tpu.core_type<sc_vector_subcore>, window_params = [{transform_indices = #map}, {transform_indices = #map1}, {transform_indices = #map1}, {transform_indices = #map2}]} {
    %mul3A = arith.constant 2 : i32
    %mul3A_0 = arith.muli %arg1, %mul3A : i32
    %add3A = arith.addi %mul3A_0, %arg0 : i32
    %mul3A_1 = arith.constant 640 : i32
    %mul3A_2 = arith.muli %arg1, %mul3A_1 : i32
    "tpu.region"() ({
      %run_scoped3A = tpu.sem_alloc : memref<!tpu.dma_semaphore, #tpu.memory_space<semaphore_mem>>
      %dma_start3A = arith.constant 0 : i32
      %dma_start3A_9 = tpu.memref_slice %arg8[%mul3A_2, %dma_start3A] : memref<10240x128xf32, #tpu.memory_space<vmem_shared>> -> memref<640x128xf32, #tpu.memory_space<vmem_shared>>
      %dma_start3A_10 = arith.constant 0 : i32
      %dma_start3A_11 = tpu.memref_slice %arg4[%mul3A_2, %dma_start3A_10] : memref<10240x128xf32, #tpu.memory_space<hbm>> -> memref<640x128xf32, #tpu.memory_space<hbm>>
      tpu.enqueue_dma source(%dma_start3A_11 : memref<640x128xf32, #tpu.memory_space<hbm>>) target(%dma_start3A_9 : memref<640x128xf32, #tpu.memory_space<vmem_shared>>) target_semaphore(%run_scoped3A : memref<!tpu.dma_semaphore, #tpu.memory_space<semaphore_mem>>)
      %dma_wait3A = arith.constant 0 : i32
      %dma_wait3A_12 = tpu.memref_slice %arg8[%mul3A_2, %dma_wait3A] : memref<10240x128xf32, #tpu.memory_space<vmem_shared>> -> memref<640x128xf32, #tpu.memory_space<vmem_shared>>
      %dma_wait3A_13 = arith.constant 0 : i32
      %dma_wait3A_14 = tpu.memref_slice %arg4[%mul3A_2, %dma_wait3A_13] : memref<10240x128xf32, #tpu.memory_space<hbm>> -> memref<640x128xf32, #tpu.memory_space<hbm>>
      tpu.wait_dma2 semaphore(%run_scoped3A : memref<!tpu.dma_semaphore, #tpu.memory_space<semaphore_mem>>) src(%dma_wait3A_14 : memref<640x128xf32, #tpu.memory_space<hbm>>) dst(%dma_wait3A_12 : memref<640x128xf32, #tpu.memory_space<vmem_shared>>)
      tpu.yield
    }) : () -> ()
    %barrier3A = arith.constant 0 : index
    tpu.barrier barrier_id(%barrier3A)
    %scan3A = arith.constant 0 : i32
    %scan3A_3 = arith.constant 0 : i32
    %scan3A_4 = arith.constant 125 : i32
    %scan3A_5 = arith.addi %scan3A_3, %scan3A_4 : i32
    %scan3A_6 = arith.constant 1 : i32
    scf.for %scan3A_9 = %scan3A_3 to %scan3A_5 step %scan3A_6  : i32 {
      %mul3A_10 = arith.constant 10000 : i32
      %mul3A_11 = arith.muli %add3A, %mul3A_10 : i32
      %mul3A_12 = arith.constant 80 : i32
      %mul3A_13 = arith.muli %scan3A_9, %mul3A_12 : i32
      %add3A_14 = arith.addi %mul3A_11, %mul3A_13 : i32
      "tpu.region"() ({
        %run_scoped3A = tpu.sem_alloc : memref<!tpu.dma_semaphore, #tpu.memory_space<semaphore_mem>>
        %dma_start3A = tpu.memref_slice %arg2[%add3A_14] : memref<320000xi32, #tpu.memory_space<hbm>> -> memref<80xi32, #tpu.memory_space<hbm>>
        %dma_start3A_15 = tpu.memref_slice %arg2[%add3A_14] : memref<320000xi32, #tpu.memory_space<hbm>> -> memref<80xi32, #tpu.memory_space<hbm>>
        tpu.enqueue_dma source(%dma_start3A_15 : memref<80xi32, #tpu.memory_space<hbm>>) target(%arg6 : memref<80xi32, #tpu.memory_space<vmem>>) target_semaphore(%run_scoped3A : memref<!tpu.dma_semaphore, #tpu.memory_space<semaphore_mem>>)
        %dma_wait3A = tpu.memref_slice %arg2[%add3A_14] : memref<320000xi32, #tpu.memory_space<hbm>> -> memref<80xi32, #tpu.memory_space<hbm>>
        %dma_wait3A_16 = tpu.memref_slice %arg2[%add3A_14] : memref<320000xi32, #tpu.memory_space<hbm>> -> memref<80xi32, #tpu.memory_space<hbm>>
        tpu.wait_dma2 semaphore(%run_scoped3A : memref<!tpu.dma_semaphore, #tpu.memory_space<semaphore_mem>>) src(%dma_wait3A_16 : memref<80xi32, #tpu.memory_space<hbm>>) dst(%arg6 : memref<80xi32, #tpu.memory_space<vmem>>)
        tpu.yield
      }) : () -> ()
      "tpu.region"() ({
        %run_scoped3A = tpu.sem_alloc : memref<!tpu.dma_semaphore, #tpu.memory_space<semaphore_mem>>
        %dma_start3A = arith.constant 0 : i32
        %dma_start3A_15 = tpu.memref_slice %arg3[%add3A_14, %dma_start3A] : memref<320000x128xf32, #tpu.memory_space<hbm>> -> memref<80x128xf32, #tpu.memory_space<hbm>>
        %dma_start3A_16 = arith.constant 0 : i32
        %dma_start3A_17 = tpu.memref_slice %arg3[%add3A_14, %dma_start3A_16] : memref<320000x128xf32, #tpu.memory_space<hbm>> -> memref<80x128xf32, #tpu.memory_space<hbm>>
        tpu.enqueue_dma source(%dma_start3A_17 : memref<80x128xf32, #tpu.memory_space<hbm>>) target(%arg7 : memref<80x128xf32, #tpu.memory_space<vmem>>) target_semaphore(%run_scoped3A : memref<!tpu.dma_semaphore, #tpu.memory_space<semaphore_mem>>)
        %dma_wait3A = arith.constant 0 : i32
        %dma_wait3A_18 = tpu.memref_slice %arg3[%add3A_14, %dma_wait3A] : memref<320000x128xf32, #tpu.memory_space<hbm>> -> memref<80x128xf32, #tpu.memory_space<hbm>>
        %dma_wait3A_19 = arith.constant 0 : i32
        %dma_wait3A_20 = tpu.memref_slice %arg3[%add3A_14, %dma_wait3A_19] : memref<320000x128xf32, #tpu.memory_space<hbm>> -> memref<80x128xf32, #tpu.memory_space<hbm>>
        tpu.wait_dma2 semaphore(%run_scoped3A : memref<!tpu.dma_semaphore, #tpu.memory_space<semaphore_mem>>) src(%dma_wait3A_20 : memref<80x128xf32, #tpu.memory_space<hbm>>) dst(%arg7 : memref<80x128xf32, #tpu.memory_space<vmem>>)
        tpu.yield
      }) : () -> ()
      "tpu.region"() ({
        %run_scoped3A = tpu.sem_alloc : memref<!tpu.dma_semaphore, #tpu.memory_space<semaphore_mem>>
        %dma_start3A = arith.constant 0 : i32
        %dma_start3A_15 = arith.constant 0 : i32
        %dma_start3A_16 = tpu.memref_slice %arg8[%dma_start3A, %dma_start3A_15] : memref<10240x128xf32, #tpu.memory_space<vmem_shared>> -> memref<10240x128xf32, #tpu.memory_space<vmem_shared>>
        tpu.enqueue_indirect_dma source(%arg7 : memref<80x128xf32, #tpu.memory_space<vmem>>) target(%dma_start3A_16 : memref<10240x128xf32, #tpu.memory_space<vmem_shared>>) offsets(%arg6 : memref<80xi32, #tpu.memory_space<vmem>>) semaphore(%run_scoped3A : memref<!tpu.dma_semaphore, #tpu.memory_space<semaphore_mem>>) {add = true}
        %dma_wait3A = arith.constant 0 : i32
        %dma_wait3A_17 = arith.constant 0 : i32
        %dma_wait3A_18 = tpu.memref_slice %arg8[%dma_wait3A, %dma_wait3A_17] : memref<10240x128xf32, #tpu.memory_space<vmem_shared>> -> memref<10240x128xf32, #tpu.memory_space<vmem_shared>>
        tpu.wait_indirect_dma semaphore(%run_scoped3A : memref<!tpu.dma_semaphore, #tpu.memory_space<semaphore_mem>>) src(%arg7 : memref<80x128xf32, #tpu.memory_space<vmem>>) dst(%dma_wait3A_18 : memref<10240x128xf32, #tpu.memory_space<vmem_shared>>)
        tpu.yield
      }) : () -> ()
    }
    %scan3A_7 = arith.constant 125 : i32
    %barrier3A_8 = arith.constant 0 : index
    tpu.barrier barrier_id(%barrier3A_8)
    "tpu.region"() ({
      %run_scoped3A = tpu.sem_alloc : memref<!tpu.dma_semaphore, #tpu.memory_space<semaphore_mem>>
      %dma_start3A = arith.constant 0 : i32
      %dma_start3A_9 = tpu.memref_slice %arg5[%arg0, %mul3A_2, %dma_start3A] : memref<2x10240x128xf32, #tpu.memory_space<hbm>> -> memref<1x640x128xf32, #tpu.memory_space<hbm>>
      %dma_start3A_10 = tpu.memref_squeeze %dma_start3A_9 : memref<1x640x128xf32, #tpu.memory_space<hbm>> -> memref<640x128xf32, #tpu.memory_space<hbm>>
      %dma_start3A_11 = arith.constant 0 : i32
      %dma_start3A_12 = tpu.memref_slice %arg8[%mul3A_2, %dma_start3A_11] : memref<10240x128xf32, #tpu.memory_space<vmem_shared>> -> memref<640x128xf32, #tpu.memory_space<vmem_shared>>
      tpu.enqueue_dma source(%dma_start3A_12 : memref<640x128xf32, #tpu.memory_space<vmem_shared>>) target(%dma_start3A_10 : memref<640x128xf32, #tpu.memory_space<hbm>>) target_semaphore(%run_scoped3A : memref<!tpu.dma_semaphore, #tpu.memory_space<semaphore_mem>>)
      %dma_wait3A = arith.constant 0 : i32
      %dma_wait3A_13 = tpu.memref_slice %arg5[%arg0, %mul3A_2, %dma_wait3A] : memref<2x10240x128xf32, #tpu.memory_space<hbm>> -> memref<1x640x128xf32, #tpu.memory_space<hbm>>
      %dma_wait3A_14 = tpu.memref_squeeze %dma_wait3A_13 : memref<1x640x128xf32, #tpu.memory_space<hbm>> -> memref<640x128xf32, #tpu.memory_space<hbm>>
      %dma_wait3A_15 = arith.constant 0 : i32
      %dma_wait3A_16 = tpu.memref_slice %arg8[%mul3A_2, %dma_wait3A_15] : memref<10240x128xf32, #tpu.memory_space<vmem_shared>> -> memref<640x128xf32, #tpu.memory_space<vmem_shared>>
      tpu.wait_dma2 semaphore(%run_scoped3A : memref<!tpu.dma_semaphore, #tpu.memory_space<semaphore_mem>>) src(%dma_wait3A_16 : memref<640x128xf32, #tpu.memory_space<vmem_shared>>) dst(%dma_wait3A_14 : memref<640x128xf32, #tpu.memory_space<hbm>>)
      tpu.yield
    }) : () -> ()
    return
  }
}

#map = affine_map<(d0, d1) -> (0)>
#map1 = affine_map<(d0, d1) -> (0, 0)>
module attributes {stable_mosaic.version = 14 : i64} {
  func.func @gat_emb_gather(%arg0: i32, %arg1: i32, %arg2: memref<10240xi32, #tpu.memory_space<hbm>>, %arg3: memref<100000x128xf32, #tpu.memory_space<hbm>>, %arg4: memref<10240x128xf32, #tpu.memory_space<hbm>>, %arg5: memref<80xi32, #tpu.memory_space<vmem>>, %arg6: memref<80x128xf32, #tpu.memory_space<vmem>>, %arg7: memref<!tpu.dma_semaphore, #tpu.memory_space<semaphore_mem>>) attributes {dimension_semantics = [#tpu.dimension_semantics<core_parallel>, #tpu.dimension_semantics<subcore_parallel>], iteration_bounds = array<i64: 2, 16>, scalar_prefetch = 0 : i64, scratch_operands = 3 : i64, tpu.core_type = #tpu.core_type<sc_vector_subcore>, window_params = [{transform_indices = #map}, {transform_indices = #map1}, {transform_indices = #map1}]} {
    %mul3A = arith.constant 2 : i32
    %mul3A_0 = arith.muli %arg1, %mul3A : i32
    %add3A = arith.addi %mul3A_0, %arg0 : i32
    %scan3A = arith.constant 0 : i32
    %scan3A_1 = arith.constant 0 : i32
    %scan3A_2 = arith.constant 4 : i32
    %scan3A_3 = arith.addi %scan3A_1, %scan3A_2 : i32
    %scan3A_4 = arith.constant 1 : i32
    scf.for %scan3A_6 = %scan3A_1 to %scan3A_3 step %scan3A_4  : i32 {
      %mul3A_7 = arith.constant 320 : i32
      %mul3A_8 = arith.muli %add3A, %mul3A_7 : i32
      %mul3A_9 = arith.constant 80 : i32
      %mul3A_10 = arith.muli %scan3A_6, %mul3A_9 : i32
      %add3A_11 = arith.addi %mul3A_8, %mul3A_10 : i32
      "tpu.region"() ({
        %run_scoped3A = tpu.sem_alloc : memref<!tpu.dma_semaphore, #tpu.memory_space<semaphore_mem>>
        %dma_start3A_16 = tpu.memref_slice %arg2[%add3A_11] : memref<10240xi32, #tpu.memory_space<hbm>> -> memref<80xi32, #tpu.memory_space<hbm>>
        %dma_start3A_17 = tpu.memref_slice %arg2[%add3A_11] : memref<10240xi32, #tpu.memory_space<hbm>> -> memref<80xi32, #tpu.memory_space<hbm>>
        tpu.enqueue_dma source(%dma_start3A_17 : memref<80xi32, #tpu.memory_space<hbm>>) target(%arg5 : memref<80xi32, #tpu.memory_space<vmem>>) target_semaphore(%run_scoped3A : memref<!tpu.dma_semaphore, #tpu.memory_space<semaphore_mem>>)
        %dma_wait3A_18 = tpu.memref_slice %arg2[%add3A_11] : memref<10240xi32, #tpu.memory_space<hbm>> -> memref<80xi32, #tpu.memory_space<hbm>>
        %dma_wait3A_19 = tpu.memref_slice %arg2[%add3A_11] : memref<10240xi32, #tpu.memory_space<hbm>> -> memref<80xi32, #tpu.memory_space<hbm>>
        tpu.wait_dma2 semaphore(%run_scoped3A : memref<!tpu.dma_semaphore, #tpu.memory_space<semaphore_mem>>) src(%dma_wait3A_19 : memref<80xi32, #tpu.memory_space<hbm>>) dst(%arg5 : memref<80xi32, #tpu.memory_space<vmem>>)
        tpu.yield
      }) : () -> ()
      %dma_start3A = arith.constant 0 : i32
      %dma_start3A_12 = arith.constant 0 : i32
      %dma_start3A_13 = tpu.memref_slice %arg3[%dma_start3A, %dma_start3A_12] : memref<100000x128xf32, #tpu.memory_space<hbm>> -> memref<100000x128xf32, #tpu.memory_space<hbm>>
      tpu.enqueue_indirect_dma source(%dma_start3A_13 : memref<100000x128xf32, #tpu.memory_space<hbm>>) target(%arg6 : memref<80x128xf32, #tpu.memory_space<vmem>>) offsets(%arg5 : memref<80xi32, #tpu.memory_space<vmem>>) semaphore(%arg7 : memref<!tpu.dma_semaphore, #tpu.memory_space<semaphore_mem>>)
      %dma_wait3A = arith.constant 0 : i32
      %dma_wait3A_14 = arith.constant 0 : i32
      %dma_wait3A_15 = tpu.memref_slice %arg3[%dma_wait3A, %dma_wait3A_14] : memref<100000x128xf32, #tpu.memory_space<hbm>> -> memref<100000x128xf32, #tpu.memory_space<hbm>>
      tpu.wait_indirect_dma semaphore(%arg7 : memref<!tpu.dma_semaphore, #tpu.memory_space<semaphore_mem>>) src(%dma_wait3A_15 : memref<100000x128xf32, #tpu.memory_space<hbm>>) dst(%arg6 : memref<80x128xf32, #tpu.memory_space<vmem>>)
      "tpu.region"() ({
        %run_scoped3A = tpu.sem_alloc : memref<!tpu.dma_semaphore, #tpu.memory_space<semaphore_mem>>
        %dma_start3A_16 = arith.constant 0 : i32
        %dma_start3A_17 = tpu.memref_slice %arg4[%add3A_11, %dma_start3A_16] : memref<10240x128xf32, #tpu.memory_space<hbm>> -> memref<80x128xf32, #tpu.memory_space<hbm>>
        %dma_start3A_18 = arith.constant 0 : i32
        %dma_start3A_19 = tpu.memref_slice %arg4[%add3A_11, %dma_start3A_18] : memref<10240x128xf32, #tpu.memory_space<hbm>> -> memref<80x128xf32, #tpu.memory_space<hbm>>
        tpu.enqueue_dma source(%arg6 : memref<80x128xf32, #tpu.memory_space<vmem>>) target(%dma_start3A_19 : memref<80x128xf32, #tpu.memory_space<hbm>>) target_semaphore(%run_scoped3A : memref<!tpu.dma_semaphore, #tpu.memory_space<semaphore_mem>>)
        %dma_wait3A_20 = arith.constant 0 : i32
        %dma_wait3A_21 = tpu.memref_slice %arg4[%add3A_11, %dma_wait3A_20] : memref<10240x128xf32, #tpu.memory_space<hbm>> -> memref<80x128xf32, #tpu.memory_space<hbm>>
        %dma_wait3A_22 = arith.constant 0 : i32
        %dma_wait3A_23 = tpu.memref_slice %arg4[%add3A_11, %dma_wait3A_22] : memref<10240x128xf32, #tpu.memory_space<hbm>> -> memref<80x128xf32, #tpu.memory_space<hbm>>
        tpu.wait_dma2 semaphore(%run_scoped3A : memref<!tpu.dma_semaphore, #tpu.memory_space<semaphore_mem>>) src(%arg6 : memref<80x128xf32, #tpu.memory_space<vmem>>) dst(%dma_wait3A_23 : memref<80x128xf32, #tpu.memory_space<hbm>>)
        tpu.yield
      }) : () -> ()
    }
    %scan3A_5 = arith.constant 4 : i32
    return
  }
}

#map = affine_map<(d0, d1) -> (0)>
#map1 = affine_map<(d0, d1) -> (0, 0)>
#map2 = affine_map<(d0, d1) -> (0, 0, 0)>
module attributes {stable_mosaic.version = 14 : i64} {
  func.func @gat_edge_scatter_l2(%arg0: i32, %arg1: i32, %arg2: memref<320000xi32, #tpu.memory_space<hbm>>, %arg3: memref<320000x128xf32, #tpu.memory_space<hbm>>, %arg4: memref<10240x128xf32, #tpu.memory_space<hbm>>, %arg5: memref<2x10240x128xf32, #tpu.memory_space<hbm>>, %arg6: memref<80xi32, #tpu.memory_space<vmem>>, %arg7: memref<80x128xf32, #tpu.memory_space<vmem>>, %arg8: memref<10240x128xf32, #tpu.memory_space<vmem_shared>>) attributes {dimension_semantics = [#tpu.dimension_semantics<core_parallel>, #tpu.dimension_semantics<subcore_parallel>], iteration_bounds = array<i64: 2, 16>, scalar_prefetch = 0 : i64, scratch_operands = 3 : i64, tpu.core_type = #tpu.core_type<sc_vector_subcore>, window_params = [{transform_indices = #map}, {transform_indices = #map1}, {transform_indices = #map1}, {transform_indices = #map2}]} {
    %mul3A = arith.constant 2 : i32
    %mul3A_0 = arith.muli %arg1, %mul3A : i32
    %add3A = arith.addi %mul3A_0, %arg0 : i32
    %mul3A_1 = arith.constant 640 : i32
    %mul3A_2 = arith.muli %arg1, %mul3A_1 : i32
    "tpu.region"() ({
      %run_scoped3A = tpu.sem_alloc : memref<!tpu.dma_semaphore, #tpu.memory_space<semaphore_mem>>
      %dma_start3A = arith.constant 0 : i32
      %dma_start3A_9 = tpu.memref_slice %arg8[%mul3A_2, %dma_start3A] : memref<10240x128xf32, #tpu.memory_space<vmem_shared>> -> memref<640x128xf32, #tpu.memory_space<vmem_shared>>
      %dma_start3A_10 = arith.constant 0 : i32
      %dma_start3A_11 = tpu.memref_slice %arg4[%mul3A_2, %dma_start3A_10] : memref<10240x128xf32, #tpu.memory_space<hbm>> -> memref<640x128xf32, #tpu.memory_space<hbm>>
      tpu.enqueue_dma source(%dma_start3A_11 : memref<640x128xf32, #tpu.memory_space<hbm>>) target(%dma_start3A_9 : memref<640x128xf32, #tpu.memory_space<vmem_shared>>) target_semaphore(%run_scoped3A : memref<!tpu.dma_semaphore, #tpu.memory_space<semaphore_mem>>)
      %dma_wait3A = arith.constant 0 : i32
      %dma_wait3A_12 = tpu.memref_slice %arg8[%mul3A_2, %dma_wait3A] : memref<10240x128xf32, #tpu.memory_space<vmem_shared>> -> memref<640x128xf32, #tpu.memory_space<vmem_shared>>
      %dma_wait3A_13 = arith.constant 0 : i32
      %dma_wait3A_14 = tpu.memref_slice %arg4[%mul3A_2, %dma_wait3A_13] : memref<10240x128xf32, #tpu.memory_space<hbm>> -> memref<640x128xf32, #tpu.memory_space<hbm>>
      tpu.wait_dma2 semaphore(%run_scoped3A : memref<!tpu.dma_semaphore, #tpu.memory_space<semaphore_mem>>) src(%dma_wait3A_14 : memref<640x128xf32, #tpu.memory_space<hbm>>) dst(%dma_wait3A_12 : memref<640x128xf32, #tpu.memory_space<vmem_shared>>)
      tpu.yield
    }) : () -> ()
    %barrier3A = arith.constant 0 : index
    tpu.barrier barrier_id(%barrier3A)
    %scan3A = arith.constant 0 : i32
    %scan3A_3 = arith.constant 0 : i32
    %scan3A_4 = arith.constant 125 : i32
    %scan3A_5 = arith.addi %scan3A_3, %scan3A_4 : i32
    %scan3A_6 = arith.constant 1 : i32
    scf.for %scan3A_9 = %scan3A_3 to %scan3A_5 step %scan3A_6  : i32 {
      %mul3A_10 = arith.constant 10000 : i32
      %mul3A_11 = arith.muli %add3A, %mul3A_10 : i32
      %mul3A_12 = arith.constant 80 : i32
      %mul3A_13 = arith.muli %scan3A_9, %mul3A_12 : i32
      %add3A_14 = arith.addi %mul3A_11, %mul3A_13 : i32
      "tpu.region"() ({
        %run_scoped3A = tpu.sem_alloc : memref<!tpu.dma_semaphore, #tpu.memory_space<semaphore_mem>>
        %dma_start3A = tpu.memref_slice %arg2[%add3A_14] : memref<320000xi32, #tpu.memory_space<hbm>> -> memref<80xi32, #tpu.memory_space<hbm>>
        %dma_start3A_15 = tpu.memref_slice %arg2[%add3A_14] : memref<320000xi32, #tpu.memory_space<hbm>> -> memref<80xi32, #tpu.memory_space<hbm>>
        tpu.enqueue_dma source(%dma_start3A_15 : memref<80xi32, #tpu.memory_space<hbm>>) target(%arg6 : memref<80xi32, #tpu.memory_space<vmem>>) target_semaphore(%run_scoped3A : memref<!tpu.dma_semaphore, #tpu.memory_space<semaphore_mem>>)
        %dma_wait3A = tpu.memref_slice %arg2[%add3A_14] : memref<320000xi32, #tpu.memory_space<hbm>> -> memref<80xi32, #tpu.memory_space<hbm>>
        %dma_wait3A_16 = tpu.memref_slice %arg2[%add3A_14] : memref<320000xi32, #tpu.memory_space<hbm>> -> memref<80xi32, #tpu.memory_space<hbm>>
        tpu.wait_dma2 semaphore(%run_scoped3A : memref<!tpu.dma_semaphore, #tpu.memory_space<semaphore_mem>>) src(%dma_wait3A_16 : memref<80xi32, #tpu.memory_space<hbm>>) dst(%arg6 : memref<80xi32, #tpu.memory_space<vmem>>)
        tpu.yield
      }) : () -> ()
      "tpu.region"() ({
        %run_scoped3A = tpu.sem_alloc : memref<!tpu.dma_semaphore, #tpu.memory_space<semaphore_mem>>
        %dma_start3A = arith.constant 0 : i32
        %dma_start3A_15 = tpu.memref_slice %arg3[%add3A_14, %dma_start3A] : memref<320000x128xf32, #tpu.memory_space<hbm>> -> memref<80x128xf32, #tpu.memory_space<hbm>>
        %dma_start3A_16 = arith.constant 0 : i32
        %dma_start3A_17 = tpu.memref_slice %arg3[%add3A_14, %dma_start3A_16] : memref<320000x128xf32, #tpu.memory_space<hbm>> -> memref<80x128xf32, #tpu.memory_space<hbm>>
        tpu.enqueue_dma source(%dma_start3A_17 : memref<80x128xf32, #tpu.memory_space<hbm>>) target(%arg7 : memref<80x128xf32, #tpu.memory_space<vmem>>) target_semaphore(%run_scoped3A : memref<!tpu.dma_semaphore, #tpu.memory_space<semaphore_mem>>)
        %dma_wait3A = arith.constant 0 : i32
        %dma_wait3A_18 = tpu.memref_slice %arg3[%add3A_14, %dma_wait3A] : memref<320000x128xf32, #tpu.memory_space<hbm>> -> memref<80x128xf32, #tpu.memory_space<hbm>>
        %dma_wait3A_19 = arith.constant 0 : i32
        %dma_wait3A_20 = tpu.memref_slice %arg3[%add3A_14, %dma_wait3A_19] : memref<320000x128xf32, #tpu.memory_space<hbm>> -> memref<80x128xf32, #tpu.memory_space<hbm>>
        tpu.wait_dma2 semaphore(%run_scoped3A : memref<!tpu.dma_semaphore, #tpu.memory_space<semaphore_mem>>) src(%dma_wait3A_20 : memref<80x128xf32, #tpu.memory_space<hbm>>) dst(%arg7 : memref<80x128xf32, #tpu.memory_space<vmem>>)
        tpu.yield
      }) : () -> ()
      "tpu.region"() ({
        %run_scoped3A = tpu.sem_alloc : memref<!tpu.dma_semaphore, #tpu.memory_space<semaphore_mem>>
        %dma_start3A = arith.constant 0 : i32
        %dma_start3A_15 = arith.constant 0 : i32
        %dma_start3A_16 = tpu.memref_slice %arg8[%dma_start3A, %dma_start3A_15] : memref<10240x128xf32, #tpu.memory_space<vmem_shared>> -> memref<10240x128xf32, #tpu.memory_space<vmem_shared>>
        tpu.enqueue_indirect_dma source(%arg7 : memref<80x128xf32, #tpu.memory_space<vmem>>) target(%dma_start3A_16 : memref<10240x128xf32, #tpu.memory_space<vmem_shared>>) offsets(%arg6 : memref<80xi32, #tpu.memory_space<vmem>>) semaphore(%run_scoped3A : memref<!tpu.dma_semaphore, #tpu.memory_space<semaphore_mem>>) {add = true}
        %dma_wait3A = arith.constant 0 : i32
        %dma_wait3A_17 = arith.constant 0 : i32
        %dma_wait3A_18 = tpu.memref_slice %arg8[%dma_wait3A, %dma_wait3A_17] : memref<10240x128xf32, #tpu.memory_space<vmem_shared>> -> memref<10240x128xf32, #tpu.memory_space<vmem_shared>>
        tpu.wait_indirect_dma semaphore(%run_scoped3A : memref<!tpu.dma_semaphore, #tpu.memory_space<semaphore_mem>>) src(%arg7 : memref<80x128xf32, #tpu.memory_space<vmem>>) dst(%dma_wait3A_18 : memref<10240x128xf32, #tpu.memory_space<vmem_shared>>)
        tpu.yield
      }) : () -> ()
    }
    %scan3A_7 = arith.constant 125 : i32
    %barrier3A_8 = arith.constant 0 : index
    tpu.barrier barrier_id(%barrier3A_8)
    "tpu.region"() ({
      %run_scoped3A = tpu.sem_alloc : memref<!tpu.dma_semaphore, #tpu.memory_space<semaphore_mem>>
      %dma_start3A = arith.constant 0 : i32
      %dma_start3A_9 = tpu.memref_slice %arg5[%arg0, %mul3A_2, %dma_start3A] : memref<2x10240x128xf32, #tpu.memory_space<hbm>> -> memref<1x640x128xf32, #tpu.memory_space<hbm>>
      %dma_start3A_10 = tpu.memref_squeeze %dma_start3A_9 : memref<1x640x128xf32, #tpu.memory_space<hbm>> -> memref<640x128xf32, #tpu.memory_space<hbm>>
      %dma_start3A_11 = arith.constant 0 : i32
      %dma_start3A_12 = tpu.memref_slice %arg8[%mul3A_2, %dma_start3A_11] : memref<10240x128xf32, #tpu.memory_space<vmem_shared>> -> memref<640x128xf32, #tpu.memory_space<vmem_shared>>
      tpu.enqueue_dma source(%dma_start3A_12 : memref<640x128xf32, #tpu.memory_space<vmem_shared>>) target(%dma_start3A_10 : memref<640x128xf32, #tpu.memory_space<hbm>>) target_semaphore(%run_scoped3A : memref<!tpu.dma_semaphore, #tpu.memory_space<semaphore_mem>>)
      %dma_wait3A = arith.constant 0 : i32
      %dma_wait3A_13 = tpu.memref_slice %arg5[%arg0, %mul3A_2, %dma_wait3A] : memref<2x10240x128xf32, #tpu.memory_space<hbm>> -> memref<1x640x128xf32, #tpu.memory_space<hbm>>
      %dma_wait3A_14 = tpu.memref_squeeze %dma_wait3A_13 : memref<1x640x128xf32, #tpu.memory_space<hbm>> -> memref<640x128xf32, #tpu.memory_space<hbm>>
      %dma_wait3A_15 = arith.constant 0 : i32
      %dma_wait3A_16 = tpu.memref_slice %arg8[%mul3A_2, %dma_wait3A_15] : memref<10240x128xf32, #tpu.memory_space<vmem_shared>> -> memref<640x128xf32, #tpu.memory_space<vmem_shared>>
      tpu.wait_dma2 semaphore(%run_scoped3A : memref<!tpu.dma_semaphore, #tpu.memory_space<semaphore_mem>>) src(%dma_wait3A_16 : memref<640x128xf32, #tpu.memory_space<vmem_shared>>) dst(%dma_wait3A_14 : memref<640x128xf32, #tpu.memory_space<hbm>>)
      tpu.yield
    }) : () -> ()
    return
  }
}

module attributes {stable_mosaic.version = 14 : i64} {
  func.func @_dense1_body(%arg0: i32, %arg1: memref<1024x128xf32, #tpu.memory_space<vmem>>, %arg2: memref<128x128xf32, #tpu.memory_space<vmem>>, %arg3: memref<128x128xf32, #tpu.memory_space<vmem>>, %arg4: memref<1024x128xf32, #tpu.memory_space<vmem>>, %arg5: memref<1024x128xf32, #tpu.memory_space<vmem>>) attributes {dimension_semantics = [#tpu.dimension_semantics<arbitrary>], iteration_bounds = array<i64: 10>, scalar_prefetch = 0 : i64, scratch_operands = 0 : i64, tpu.core_type = #tpu.core_type<tc>, window_params = [{transform_indices = @transform_0, window_bounds = array<i64: 1024, 128>}, {pipeline_mode = #tpu.pipeline_mode<synchronous>, transform_indices = @transform_1, window_bounds = array<i64: 128, 128>}, {pipeline_mode = #tpu.pipeline_mode<synchronous>, transform_indices = @transform_2, window_bounds = array<i64: 128, 128>}, {transform_indices = @transform_3, window_bounds = array<i64: 1024, 128>}, {transform_indices = @transform_4, window_bounds = array<i64: 1024, 128>}]} {
    %get3A = arith.constant 0 : index
    %get3A_0 = arith.constant 0 : index
    %get3A_1 = vector.load %arg1[%get3A, %get3A_0] : memref<1024x128xf32, #tpu.memory_space<vmem>>, vector<1024x128xf32>
    %get3A_2 = arith.constant 0 : index
    %get3A_3 = arith.constant 0 : index
    %get3A_4 = vector.load %arg2[%get3A_2, %get3A_3] : memref<128x128xf32, #tpu.memory_space<vmem>>, vector<128x128xf32>
    %dot_general3A = arith.constant dense<0.000000e+00> : vector<1024x128xf32>
    %dot_general3A_5 = tpu.matmul %get3A_1, %get3A_4, %dot_general3A {dimension_numbers = #tpu.dot_dimension_numbers<[1], [0], [0], [1], [0, 0, 1, 1], [], []>, transpose_lhs_hint = false} : vector<1024x128xf32>, vector<128x128xf32>, vector<1024x128xf32> -> vector<1024x128xf32>
    %swap3A = arith.constant 0 : index
    %swap3A_6 = arith.constant 0 : index
    %swap3A_7 = vector.load %arg4[%swap3A, %swap3A_6] : memref<1024x128xf32, #tpu.memory_space<vmem>>, vector<1024x128xf32>
    tpu.vector_store %arg4[%swap3A, %swap3A_6], %dot_general3A_5 {strides = array<i32>} : memref<1024x128xf32, #tpu.memory_space<vmem>>, vector<1024x128xf32>,
    %get3A_8 = arith.constant 0 : index
    %get3A_9 = arith.constant 0 : index
    %get3A_10 = vector.load %arg3[%get3A_8, %get3A_9] : memref<128x128xf32, #tpu.memory_space<vmem>>, vector<128x128xf32>
    %dot_general3A_11 = arith.constant dense<0.000000e+00> : vector<1024x128xf32>
    %dot_general3A_12 = tpu.matmul %get3A_1, %get3A_10, %dot_general3A_11 {dimension_numbers = #tpu.dot_dimension_numbers<[1], [0], [0], [1], [0, 0, 1, 1], [], []>, transpose_lhs_hint = false} : vector<1024x128xf32>, vector<128x128xf32>, vector<1024x128xf32> -> vector<1024x128xf32>
    %swap3A_13 = arith.constant 0 : index
    %swap3A_14 = arith.constant 0 : index
    %swap3A_15 = vector.load %arg5[%swap3A_13, %swap3A_14] : memref<1024x128xf32, #tpu.memory_space<vmem>>, vector<1024x128xf32>
    tpu.vector_store %arg5[%swap3A_13, %swap3A_14], %dot_general3A_12 {strides = array<i32>} : memref<1024x128xf32, #tpu.memory_space<vmem>>, vector<1024x128xf32>,
    return
  }
  func.func @transform_0(%arg0: i32) -> (i32, i32) {
    %c0_i32 = arith.constant 0 : i32
    %c0_i32_0 = arith.constant 0 : i32
    return %arg0, %c0_i32 : i32, i32
  }
  func.func @transform_1(%arg0: i32) -> (i32, i32) {
    %c0_i32 = arith.constant 0 : i32
    %c0_i32_0 = arith.constant 0 : i32
    %c0_i32_1 = arith.constant 0 : i32
    return %c0_i32, %c0_i32_0 : i32, i32
  }
  func.func @transform_2(%arg0: i32) -> (i32, i32) {
    %c0_i32 = arith.constant 0 : i32
    %c0_i32_0 = arith.constant 0 : i32
    %c0_i32_1 = arith.constant 0 : i32
    return %c0_i32, %c0_i32_0 : i32, i32
  }
  func.func @transform_3(%arg0: i32) -> (i32, i32) {
    %c0_i32 = arith.constant 0 : i32
    %c0_i32_0 = arith.constant 0 : i32
    return %arg0, %c0_i32 : i32, i32
  }
  func.func @transform_4(%arg0: i32) -> (i32, i32) {
    %c0_i32 = arith.constant 0 : i32
    %c0_i32_0 = arith.constant 0 : i32
    return %arg0, %c0_i32 : i32, i32
  }
}

module attributes {stable_mosaic.version = 14 : i64} {
  func.func @_edge_math1_body(%arg0: i32, %arg1: memref<2000x128xf32, #tpu.memory_space<vmem>>, %arg2: memref<2000x128xf32, #tpu.memory_space<vmem>>, %arg3: memref<16x64xf32, #tpu.memory_space<vmem>>, %arg4: memref<2000x128xf32, #tpu.memory_space<vmem>>) attributes {dimension_semantics = [#tpu.dimension_semantics<arbitrary>], iteration_bounds = array<i64: 160>, scalar_prefetch = 0 : i64, scratch_operands = 0 : i64, tpu.core_type = #tpu.core_type<tc>, window_params = [{transform_indices = @transform_0, window_bounds = array<i64: 2000, 128>}, {transform_indices = @transform_1, window_bounds = array<i64: 2000, 128>}, {pipeline_mode = #tpu.pipeline_mode<synchronous>, transform_indices = @transform_2, window_bounds = array<i64: 16, 64>}, {transform_indices = @transform_3, window_bounds = array<i64: 2000, 128>}]} {
    %get3A = arith.constant 0 : index
    %get3A_0 = arith.constant 0 : index
    %get3A_1 = vector.load %arg1[%get3A, %get3A_0] : memref<2000x128xf32, #tpu.memory_space<vmem>>, vector<2000x128xf32>
    %get3A_2 = arith.constant 0 : index
    %get3A_3 = arith.constant 0 : index
    %get3A_4 = vector.load %arg2[%get3A_2, %get3A_3] : memref<2000x128xf32, #tpu.memory_space<vmem>>, vector<2000x128xf32>
    %slice3A = vector.extract_strided_slice %get3A_1 {offsets = [0, 0], sizes = [2000, 16], strides = [1, 1]} : vector<2000x128xf32> to vector<2000x16xf32>
    %slice3A_5 = vector.extract_strided_slice %get3A_4 {offsets = [0, 0], sizes = [2000, 16], strides = [1, 1]} : vector<2000x128xf32> to vector<2000x16xf32>
    %add3A = arith.addf %slice3A, %slice3A_5 : vector<2000x16xf32>
    %gt3A = arith.constant 0.000000e+00 : f32
    %gt3A_6 = vector.broadcast %gt3A : f32 to vector<2000x16xf32>
    %gt3A_7 = arith.cmpf ogt, %add3A, %gt3A_6 : vector<2000x16xf32>
    %mul3A = arith.constant 2.000000e-01 : f32
    %mul3A_8 = vector.broadcast %mul3A : f32 to vector<2000x16xf32>
    %mul3A_9 = arith.mulf %mul3A_8, %add3A : vector<2000x16xf32>
    %select_n3A = arith.select %gt3A_7, %add3A, %mul3A_9 : vector<2000x16xi1>, vector<2000x16xf32>
    %exp3A = math.exp %select_n3A : vector<2000x16xf32>
    %get3A_10 = arith.constant 0 : index
    %get3A_11 = arith.constant 0 : index
    %get3A_12 = vector.load %arg3[%get3A_10, %get3A_11] : memref<16x64xf32, #tpu.memory_space<vmem>>, vector<16x64xf32>
    %dot_general3A = arith.constant dense<0.000000e+00> : vector<2000x64xf32>
    %dot_general3A_13 = tpu.matmul %exp3A, %get3A_12, %dot_general3A {dimension_numbers = #tpu.dot_dimension_numbers<[1], [0], [0], [1], [0, 0, 1, 1], [], []>, transpose_lhs_hint = false} : vector<2000x16xf32>, vector<16x64xf32>, vector<2000x64xf32> -> vector<2000x64xf32>
    %slice3A_14 = vector.extract_strided_slice %get3A_1 {offsets = [0, 16], sizes = [2000, 64], strides = [1, 1]} : vector<2000x128xf32> to vector<2000x64xf32>
    %mul3A_15 = arith.mulf %slice3A_14, %dot_general3A_13 : vector<2000x64xf32>
    %broadcast_in_dim3A = arith.constant 0.000000e+00 : f32
    %broadcast_in_dim3A_16 = vector.broadcast %broadcast_in_dim3A : f32 to vector<2000x48xf32>
    %concatenate3A = tpu.concatenate %mul3A_15, %exp3A, %broadcast_in_dim3A_16 in 1 : vector<2000x64xf32>, vector<2000x16xf32>, vector<2000x48xf32> -> vector<2000x128xf32>
    %swap3A = arith.constant 0 : index
    %swap3A_17 = arith.constant 0 : index
    %swap3A_18 = vector.load %arg4[%swap3A, %swap3A_17] : memref<2000x128xf32, #tpu.memory_space<vmem>>, vector<2000x128xf32>
    tpu.vector_store %arg4[%swap3A, %swap3A_17], %concatenate3A {strides = array<i32>} : memref<2000x128xf32, #tpu.memory_space<vmem>>, vector<2000x128xf32>,
    return
  }
  func.func @transform_0(%arg0: i32) -> (i32, i32) {
    %c0_i32 = arith.constant 0 : i32
    %c0_i32_0 = arith.constant 0 : i32
    return %arg0, %c0_i32 : i32, i32
  }
  func.func @transform_1(%arg0: i32) -> (i32, i32) {
    %c0_i32 = arith.constant 0 : i32
    %c0_i32_0 = arith.constant 0 : i32
    return %arg0, %c0_i32 : i32, i32
  }
  func.func @transform_2(%arg0: i32) -> (i32, i32) {
    %c0_i32 = arith.constant 0 : i32
    %c0_i32_0 = arith.constant 0 : i32
    %c0_i32_1 = arith.constant 0 : i32
    return %c0_i32, %c0_i32_0 : i32, i32
  }
  func.func @transform_3(%arg0: i32) -> (i32, i32) {
    %c0_i32 = arith.constant 0 : i32
    %c0_i32_0 = arith.constant 0 : i32
    return %arg0, %c0_i32 : i32, i32
  }
}

module attributes {stable_mosaic.version = 14 : i64} {
  func.func @body(%arg0: i32, %arg1: memref<2x1024x128xf32, #tpu.memory_space<vmem>>, %arg2: memref<16x64xf32, #tpu.memory_space<vmem>>, %arg3: memref<1x64xf32, #tpu.memory_space<vmem>>, %arg4: memref<64x16xf32, #tpu.memory_space<vmem>>, %arg5: memref<16x128xf32, #tpu.memory_space<vmem>>, %arg6: memref<16x128xf32, #tpu.memory_space<vmem>>, %arg7: memref<1024x128xf32, #tpu.memory_space<vmem>>, %arg8: memref<1024x128xf32, #tpu.memory_space<vmem>>) attributes {dimension_semantics = [#tpu.dimension_semantics<arbitrary>], iteration_bounds = array<i64: 10>, scalar_prefetch = 0 : i64, scratch_operands = 0 : i64, tpu.core_type = #tpu.core_type<tc>, window_params = [{transform_indices = @transform_0, window_bounds = array<i64: 2, 1024, 128>}, {pipeline_mode = #tpu.pipeline_mode<synchronous>, transform_indices = @transform_1, window_bounds = array<i64: 16, 64>}, {pipeline_mode = #tpu.pipeline_mode<synchronous>, transform_indices = @transform_2, window_bounds = array<i64: 1, 64>}, {pipeline_mode = #tpu.pipeline_mode<synchronous>, transform_indices = @transform_3, window_bounds = array<i64: 64, 16>}, {pipeline_mode = #tpu.pipeline_mode<synchronous>, transform_indices = @transform_4, window_bounds = array<i64: 16, 128>}, {pipeline_mode = #tpu.pipeline_mode<synchronous>, transform_indices = @transform_5, window_bounds = array<i64: 16, 128>}, {transform_indices = @transform_6, window_bounds = array<i64: 1024, 128>}, {transform_indices = @transform_7, window_bounds = array<i64: 1024, 128>}]} {
    %get3A = arith.constant 0 : index
    %get3A_0 = arith.constant 0 : index
    %get3A_1 = arith.constant 0 : index
    %get3A_2 = vector.load %arg1[%get3A, %get3A_0, %get3A_1] : memref<2x1024x128xf32, #tpu.memory_space<vmem>>, vector<2x1024x128xf32>
    %slice3A = vector.extract_strided_slice %get3A_2 {offsets = [0, 0, 0], sizes = [1, 1024, 128], strides = [1, 1, 1]} : vector<2x1024x128xf32> to vector<1x1024x128xf32>
    %squeeze3A = vector.shape_cast %slice3A : vector<1x1024x128xf32> to vector<1024x128xf32>
    %slice3A_3 = vector.extract_strided_slice %get3A_2 {offsets = [1, 0, 0], sizes = [1, 1024, 128], strides = [1, 1, 1]} : vector<2x1024x128xf32> to vector<1x1024x128xf32>
    %squeeze3A_4 = vector.shape_cast %slice3A_3 : vector<1x1024x128xf32> to vector<1024x128xf32>
    %add3A = arith.addf %squeeze3A, %squeeze3A_4 : vector<1024x128xf32>
    %slice3A_5 = vector.extract_strided_slice %add3A {offsets = [0, 64], sizes = [1024, 16], strides = [1, 1]} : vector<1024x128xf32> to vector<1024x16xf32>
    %get3A_6 = arith.constant 0 : index
    %get3A_7 = arith.constant 0 : index
    %get3A_8 = vector.load %arg2[%get3A_6, %get3A_7] : memref<16x64xf32, #tpu.memory_space<vmem>>, vector<16x64xf32>
    %dot_general3A = arith.constant dense<0.000000e+00> : vector<1024x64xf32>
    %dot_general3A_9 = tpu.matmul %slice3A_5, %get3A_8, %dot_general3A {dimension_numbers = #tpu.dot_dimension_numbers<[1], [0], [0], [1], [0, 0, 1, 1], [], []>, transpose_lhs_hint = false} : vector<1024x16xf32>, vector<16x64xf32>, vector<1024x64xf32> -> vector<1024x64xf32>
    %add3A_10 = arith.constant 1.000000e-16 : f32
    %add3A_11 = vector.broadcast %add3A_10 : f32 to vector<1024x64xf32>
    %add3A_12 = arith.addf %dot_general3A_9, %add3A_11 : vector<1024x64xf32>
    %slice3A_13 = vector.extract_strided_slice %add3A {offsets = [0, 0], sizes = [1024, 64], strides = [1, 1]} : vector<1024x128xf32> to vector<1024x64xf32>
    %div3A = arith.divf %slice3A_13, %add3A_12 : vector<1024x64xf32>
    %get3A_14 = arith.constant 0 : index
    %get3A_15 = arith.constant 0 : index
    %get3A_16 = vector.load %arg3[%get3A_14, %get3A_15] : memref<1x64xf32, #tpu.memory_space<vmem>>, vector<1x64xf32>
    %add3A_17 = vector.broadcast %get3A_16 : vector<1x64xf32> to vector<1024x64xf32>
    %add3A_18 = arith.addf %div3A, %add3A_17 : vector<1024x64xf32>
    %gt3A = arith.constant 0.000000e+00 : f32
    %gt3A_19 = vector.broadcast %gt3A : f32 to vector<1024x64xf32>
    %gt3A_20 = arith.cmpf ogt, %add3A_18, %gt3A_19 : vector<1024x64xf32>
    %exp3A = math.exp %add3A_18 : vector<1024x64xf32>
    %sub3A = arith.constant 1.000000e+00 : f32
    %sub3A_21 = vector.broadcast %sub3A : f32 to vector<1024x64xf32>
    %sub3A_22 = arith.subf %exp3A, %sub3A_21 : vector<1024x64xf32>
    %select_n3A = arith.select %gt3A_20, %add3A_18, %sub3A_22 : vector<1024x64xi1>, vector<1024x64xf32>
    %get3A_23 = arith.constant 0 : index
    %get3A_24 = arith.constant 0 : index
    %get3A_25 = vector.load %arg4[%get3A_23, %get3A_24] : memref<64x16xf32, #tpu.memory_space<vmem>>, vector<64x16xf32>
    %dot_general3A_26 = arith.constant dense<0.000000e+00> : vector<1024x16xf32>
    %dot_general3A_27 = tpu.matmul %select_n3A, %get3A_25, %dot_general3A_26 {dimension_numbers = #tpu.dot_dimension_numbers<[1], [0], [0], [1], [0, 0, 1, 1], [], []>, transpose_lhs_hint = false} : vector<1024x64xf32>, vector<64x16xf32>, vector<1024x16xf32> -> vector<1024x16xf32>
    %get3A_28 = arith.constant 0 : index
    %get3A_29 = arith.constant 0 : index
    %get3A_30 = vector.load %arg5[%get3A_28, %get3A_29] : memref<16x128xf32, #tpu.memory_space<vmem>>, vector<16x128xf32>
    %dot_general3A_31 = arith.constant dense<0.000000e+00> : vector<1024x128xf32>
    %dot_general3A_32 = tpu.matmul %dot_general3A_27, %get3A_30, %dot_general3A_31 {dimension_numbers = #tpu.dot_dimension_numbers<[1], [0], [0], [1], [0, 0, 1, 1], [], []>, transpose_lhs_hint = false} : vector<1024x16xf32>, vector<16x128xf32>, vector<1024x128xf32> -> vector<1024x128xf32>
    %swap3A = arith.constant 0 : index
    %swap3A_33 = arith.constant 0 : index
    %swap3A_34 = vector.load %arg7[%swap3A, %swap3A_33] : memref<1024x128xf32, #tpu.memory_space<vmem>>, vector<1024x128xf32>
    tpu.vector_store %arg7[%swap3A, %swap3A_33], %dot_general3A_32 {strides = array<i32>} : memref<1024x128xf32, #tpu.memory_space<vmem>>, vector<1024x128xf32>,
    %get3A_35 = arith.constant 0 : index
    %get3A_36 = arith.constant 0 : index
    %get3A_37 = vector.load %arg6[%get3A_35, %get3A_36] : memref<16x128xf32, #tpu.memory_space<vmem>>, vector<16x128xf32>
    %dot_general3A_38 = arith.constant dense<0.000000e+00> : vector<1024x128xf32>
    %dot_general3A_39 = tpu.matmul %dot_general3A_27, %get3A_37, %dot_general3A_38 {dimension_numbers = #tpu.dot_dimension_numbers<[1], [0], [0], [1], [0, 0, 1, 1], [], []>, transpose_lhs_hint = false} : vector<1024x16xf32>, vector<16x128xf32>, vector<1024x128xf32> -> vector<1024x128xf32>
    %swap3A_40 = arith.constant 0 : index
    %swap3A_41 = arith.constant 0 : index
    %swap3A_42 = vector.load %arg8[%swap3A_40, %swap3A_41] : memref<1024x128xf32, #tpu.memory_space<vmem>>, vector<1024x128xf32>
    tpu.vector_store %arg8[%swap3A_40, %swap3A_41], %dot_general3A_39 {strides = array<i32>} : memref<1024x128xf32, #tpu.memory_space<vmem>>, vector<1024x128xf32>,
    return
  }
  func.func @transform_0(%arg0: i32) -> (i32, i32, i32) {
    %c0_i32 = arith.constant 0 : i32
    %c0_i32_0 = arith.constant 0 : i32
    %c0_i32_1 = arith.constant 0 : i32
    return %c0_i32, %arg0, %c0_i32_0 : i32, i32, i32
  }
  func.func @transform_1(%arg0: i32) -> (i32, i32) {
    %c0_i32 = arith.constant 0 : i32
    %c0_i32_0 = arith.constant 0 : i32
    %c0_i32_1 = arith.constant 0 : i32
    return %c0_i32, %c0_i32_0 : i32, i32
  }
  func.func @transform_2(%arg0: i32) -> (i32, i32) {
    %c0_i32 = arith.constant 0 : i32
    %c0_i32_0 = arith.constant 0 : i32
    %c0_i32_1 = arith.constant 0 : i32
    return %c0_i32, %c0_i32_0 : i32, i32
  }
  func.func @transform_3(%arg0: i32) -> (i32, i32) {
    %c0_i32 = arith.constant 0 : i32
    %c0_i32_0 = arith.constant 0 : i32
    %c0_i32_1 = arith.constant 0 : i32
    return %c0_i32, %c0_i32_0 : i32, i32
  }
  func.func @transform_4(%arg0: i32) -> (i32, i32) {
    %c0_i32 = arith.constant 0 : i32
    %c0_i32_0 = arith.constant 0 : i32
    %c0_i32_1 = arith.constant 0 : i32
    return %c0_i32, %c0_i32_0 : i32, i32
  }
  func.func @transform_5(%arg0: i32) -> (i32, i32) {
    %c0_i32 = arith.constant 0 : i32
    %c0_i32_0 = arith.constant 0 : i32
    %c0_i32_1 = arith.constant 0 : i32
    return %c0_i32, %c0_i32_0 : i32, i32
  }
  func.func @transform_6(%arg0: i32) -> (i32, i32) {
    %c0_i32 = arith.constant 0 : i32
    %c0_i32_0 = arith.constant 0 : i32
    return %arg0, %c0_i32 : i32, i32
  }
  func.func @transform_7(%arg0: i32) -> (i32, i32) {
    %c0_i32 = arith.constant 0 : i32
    %c0_i32_0 = arith.constant 0 : i32
    return %arg0, %c0_i32 : i32, i32
  }
}

module attributes {stable_mosaic.version = 14 : i64} {
  func.func @_edge_math2_body(%arg0: i32, %arg1: memref<2000x128xf32, #tpu.memory_space<vmem>>, %arg2: memref<2000x128xf32, #tpu.memory_space<vmem>>, %arg3: memref<2000x128xf32, #tpu.memory_space<vmem>>) attributes {dimension_semantics = [#tpu.dimension_semantics<arbitrary>], iteration_bounds = array<i64: 160>, scalar_prefetch = 0 : i64, scratch_operands = 0 : i64, tpu.core_type = #tpu.core_type<tc>, window_params = [{transform_indices = @transform_0, window_bounds = array<i64: 2000, 128>}, {transform_indices = @transform_1, window_bounds = array<i64: 2000, 128>}, {transform_indices = @transform_2, window_bounds = array<i64: 2000, 128>}]} {
    %get3A = arith.constant 0 : index
    %get3A_0 = arith.constant 0 : index
    %get3A_1 = vector.load %arg1[%get3A, %get3A_0] : memref<2000x128xf32, #tpu.memory_space<vmem>>, vector<2000x128xf32>
    %get3A_2 = arith.constant 0 : index
    %get3A_3 = arith.constant 0 : index
    %get3A_4 = vector.load %arg2[%get3A_2, %get3A_3] : memref<2000x128xf32, #tpu.memory_space<vmem>>, vector<2000x128xf32>
    %slice3A = vector.extract_strided_slice %get3A_1 {offsets = [0, 0], sizes = [2000, 16], strides = [1, 1]} : vector<2000x128xf32> to vector<2000x16xf32>
    %slice3A_5 = vector.extract_strided_slice %get3A_4 {offsets = [0, 0], sizes = [2000, 16], strides = [1, 1]} : vector<2000x128xf32> to vector<2000x16xf32>
    %add3A = arith.addf %slice3A, %slice3A_5 : vector<2000x16xf32>
    %gt3A = arith.constant 0.000000e+00 : f32
    %gt3A_6 = vector.broadcast %gt3A : f32 to vector<2000x16xf32>
    %gt3A_7 = arith.cmpf ogt, %add3A, %gt3A_6 : vector<2000x16xf32>
    %mul3A = arith.constant 2.000000e-01 : f32
    %mul3A_8 = vector.broadcast %mul3A : f32 to vector<2000x16xf32>
    %mul3A_9 = arith.mulf %mul3A_8, %add3A : vector<2000x16xf32>
    %select_n3A = arith.select %gt3A_7, %add3A, %mul3A_9 : vector<2000x16xi1>, vector<2000x16xf32>
    %exp3A = math.exp %select_n3A : vector<2000x16xf32>
    %slice3A_10 = vector.extract_strided_slice %get3A_1 {offsets = [0, 16], sizes = [2000, 16], strides = [1, 1]} : vector<2000x128xf32> to vector<2000x16xf32>
    %slice3A_11 = vector.extract_strided_slice %exp3A {offsets = [0, 0], sizes = [2000, 1], strides = [1, 1]} : vector<2000x16xf32> to vector<2000x1xf32>
    %mul3A_12 = vector.broadcast %slice3A_11 : vector<2000x1xf32> to vector<2000x16xf32>
    %mul3A_13 = arith.mulf %slice3A_10, %mul3A_12 : vector<2000x16xf32>
    %broadcast_in_dim3A = arith.constant 0.000000e+00 : f32
    %broadcast_in_dim3A_14 = vector.broadcast %broadcast_in_dim3A : f32 to vector<2000x96xf32>
    %concatenate3A = tpu.concatenate %mul3A_13, %exp3A, %broadcast_in_dim3A_14 in 1 : vector<2000x16xf32>, vector<2000x16xf32>, vector<2000x96xf32> -> vector<2000x128xf32>
    %swap3A = arith.constant 0 : index
    %swap3A_15 = arith.constant 0 : index
    %swap3A_16 = vector.load %arg3[%swap3A, %swap3A_15] : memref<2000x128xf32, #tpu.memory_space<vmem>>, vector<2000x128xf32>
    tpu.vector_store %arg3[%swap3A, %swap3A_15], %concatenate3A {strides = array<i32>} : memref<2000x128xf32, #tpu.memory_space<vmem>>, vector<2000x128xf32>,
    return
  }
  func.func @transform_0(%arg0: i32) -> (i32, i32) {
    %c0_i32 = arith.constant 0 : i32
    %c0_i32_0 = arith.constant 0 : i32
    return %arg0, %c0_i32 : i32, i32
  }
  func.func @transform_1(%arg0: i32) -> (i32, i32) {
    %c0_i32 = arith.constant 0 : i32
    %c0_i32_0 = arith.constant 0 : i32
    return %arg0, %c0_i32 : i32, i32
  }
  func.func @transform_2(%arg0: i32) -> (i32, i32) {
    %c0_i32 = arith.constant 0 : i32
    %c0_i32_0 = arith.constant 0 : i32
    return %arg0, %c0_i32 : i32, i32
  }
}

module attributes {stable_mosaic.version = 14 : i64} {
  func.func @_final_body(%arg0: i32, %arg1: memref<2x1024x128xf32, #tpu.memory_space<vmem>>, %arg2: memref<1x16xf32, #tpu.memory_space<vmem>>, %arg3: memref<1024x16xf32, #tpu.memory_space<vmem>>) attributes {dimension_semantics = [#tpu.dimension_semantics<arbitrary>], iteration_bounds = array<i64: 10>, scalar_prefetch = 0 : i64, scratch_operands = 0 : i64, tpu.core_type = #tpu.core_type<tc>, window_params = [{transform_indices = @transform_0, window_bounds = array<i64: 2, 1024, 128>}, {pipeline_mode = #tpu.pipeline_mode<synchronous>, transform_indices = @transform_1, window_bounds = array<i64: 1, 16>}, {transform_indices = @transform_2, window_bounds = array<i64: 1024, 16>}]} {
    %get3A = arith.constant 0 : index
    %get3A_0 = arith.constant 0 : index
    %get3A_1 = arith.constant 0 : index
    %get3A_2 = vector.load %arg1[%get3A, %get3A_0, %get3A_1] : memref<2x1024x128xf32, #tpu.memory_space<vmem>>, vector<2x1024x128xf32>
    %slice3A = vector.extract_strided_slice %get3A_2 {offsets = [0, 0, 0], sizes = [1, 1024, 128], strides = [1, 1, 1]} : vector<2x1024x128xf32> to vector<1x1024x128xf32>
    %squeeze3A = vector.shape_cast %slice3A : vector<1x1024x128xf32> to vector<1024x128xf32>
    %slice3A_3 = vector.extract_strided_slice %get3A_2 {offsets = [1, 0, 0], sizes = [1, 1024, 128], strides = [1, 1, 1]} : vector<2x1024x128xf32> to vector<1x1024x128xf32>
    %squeeze3A_4 = vector.shape_cast %slice3A_3 : vector<1x1024x128xf32> to vector<1024x128xf32>
    %add3A = arith.addf %squeeze3A, %squeeze3A_4 : vector<1024x128xf32>
    %slice3A_5 = vector.extract_strided_slice %add3A {offsets = [0, 0], sizes = [1024, 16], strides = [1, 1]} : vector<1024x128xf32> to vector<1024x16xf32>
    %slice3A_6 = vector.extract_strided_slice %add3A {offsets = [0, 16], sizes = [1024, 1], strides = [1, 1]} : vector<1024x128xf32> to vector<1024x1xf32>
    %add3A_7 = arith.constant 1.000000e-16 : f32
    %add3A_8 = vector.broadcast %add3A_7 : f32 to vector<1024x1xf32>
    %add3A_9 = arith.addf %slice3A_6, %add3A_8 : vector<1024x1xf32>
    %div3A = vector.broadcast %add3A_9 : vector<1024x1xf32> to vector<1024x16xf32>
    %div3A_10 = arith.divf %slice3A_5, %div3A : vector<1024x16xf32>
    %get3A_11 = arith.constant 0 : index
    %get3A_12 = arith.constant 0 : index
    %get3A_13 = vector.load %arg2[%get3A_11, %get3A_12] : memref<1x16xf32, #tpu.memory_space<vmem>>, vector<1x16xf32>
    %add3A_14 = vector.broadcast %get3A_13 : vector<1x16xf32> to vector<1024x16xf32>
    %add3A_15 = arith.addf %div3A_10, %add3A_14 : vector<1024x16xf32>
    %reduce_max3A = arith.constant dense<0xFF800000> : vector<1024xf32>
    %reduce_max3A_16 = vector.multi_reduction <maximumf>, %add3A_15, %reduce_max3A [1] : vector<1024x16xf32> to vector<1024xf32>
    %broadcast_in_dim3A = vector.shape_cast %reduce_max3A_16 : vector<1024xf32> to vector<1024x1xf32>
    %sub3A = vector.broadcast %broadcast_in_dim3A : vector<1024x1xf32> to vector<1024x16xf32>
    %sub3A_17 = arith.subf %add3A_15, %sub3A : vector<1024x16xf32>
    %exp3A = math.exp %sub3A_17 : vector<1024x16xf32>
    %reduce_sum3A = arith.constant dense<0.000000e+00> : vector<1024xf32>
    %reduce_sum3A_18 = vector.multi_reduction <add>, %exp3A, %reduce_sum3A [1] : vector<1024x16xf32> to vector<1024xf32>
    %broadcast_in_dim3A_19 = vector.shape_cast %reduce_sum3A_18 : vector<1024xf32> to vector<1024x1xf32>
    %log3A = math.log %broadcast_in_dim3A_19 : vector<1024x1xf32>
    %sub3A_20 = vector.broadcast %log3A : vector<1024x1xf32> to vector<1024x16xf32>
    %sub3A_21 = arith.subf %sub3A_17, %sub3A_20 : vector<1024x16xf32>
    %swap3A = arith.constant 0 : index
    %swap3A_22 = arith.constant 0 : index
    %swap3A_23 = vector.load %arg3[%swap3A, %swap3A_22] : memref<1024x16xf32, #tpu.memory_space<vmem>>, vector<1024x16xf32>
    tpu.vector_store %arg3[%swap3A, %swap3A_22], %sub3A_21 {strides = array<i32>} : memref<1024x16xf32, #tpu.memory_space<vmem>>, vector<1024x16xf32>,
    return
  }
  func.func @transform_0(%arg0: i32) -> (i32, i32, i32) {
    %c0_i32 = arith.constant 0 : i32
    %c0_i32_0 = arith.constant 0 : i32
    %c0_i32_1 = arith.constant 0 : i32
    return %c0_i32, %arg0, %c0_i32_0 : i32, i32, i32
  }
  func.func @transform_1(%arg0: i32) -> (i32, i32) {
    %c0_i32 = arith.constant 0 : i32
    %c0_i32_0 = arith.constant 0 : i32
    %c0_i32_1 = arith.constant 0 : i32
    return %c0_i32, %c0_i32_0 : i32, i32
  }
  func.func @transform_2(%arg0: i32) -> (i32, i32) {
    %c0_i32 = arith.constant 0 : i32
    %c0_i32_0 = arith.constant 0 : i32
    return %arg0, %c0_i32 : i32, i32
  }
}

</mosaic_0001>

<sc_bundles>
// kernel: gat_edge_gather_l1.3.cloned.1.call-start
scs
__scs_entry_jumppad:
0x0: {  	(pc) =	sbr.rel $0x88, $3  }
0x1: {  	(tag) =	ssettag $0x0;
	lr =	simm.s32 $0x1  }
0x2: {  	[smem:$0x3F96] =	sst lr;
	_ =	strace $0xD0000000  }
0x3: {  	_ = 	snop  }
0x4: {  	_ = 	snop  }
0x5: {  	_ = 	snop  }
0x6: {  	_ = 	snop  }
0x7: {  	_ = 	snop  }
__scs_overlays_trampoline_lowered:
0x8: {  	[smem:$0x3FA5] =	sst s0  }
0x9: {  	[smem:$0x3FA6] =	sst s1  }
0xa: {  	[smem:$0x3FA7] =	sst s2  }
0xb: {  	[smem:$0x3FA8] =	sst s3  }
0xc: {  	[smem:$0x3FA9] =	sst s4  }
0xd: {  	[smem:$0x3FAA] =	sst s5  }
0xe: {  	[smem:$0x3FAB] =	sst s6  }
0xf: {  	[smem:$0x3FAC] =	sst s7  }
0x10: {  	[smem:$0x3FAD] =	sst s8  }
0x11: {  	[smem:$0x3FAE] =	sst s9;
	s0 =	simm.s32 @!p0 $0x0  }
0x12: {  	s1 =	sld [smem:$0x3F94];
	s0 =	simm.s32 @p0 $0x1  }
0x13: {  	[smem:$0x3FAF] =	sst s0;
	s0 =	simm.s32 @!p1 $0x0  }
0x14: {  	s2 =	sld [smem:$0x3F93];
	s0 =	simm.s32 @p1 $0x1  }
0x15: {  	[smem:$0x3FB0] =	sst s0;
	s0 =	simm.s32 @!p2 $0x0  }
0x16: {  	s3 =	sld [smem:$0x3FDB];
	s0 =	simm.s32 @p2 $0x1  }
0x17: {  	s4 =	simm.s32 $0x1BF5;
	[smem:$0x3FB2] =	sst s0  }
0x18: {  	s0 =	sld [smem:$0x3F95];
	_ =	swait.ge [sflag:s4], $0x0  }
0x19: {  	s7 =	sld [smem:$0x3F96]  }
0x1a: {  	s8 =	sadd.s32 $0xFFFFE003, lr  }
0x1b: {  	s9 =	sadd.s32 $0xFFFFFEF7, lr;
	s5 =	simm.s32 $0xFFFFFFFF;
	p2 =	slt.u32 s8, $0xFFFFF086  }
0x1c: {  	p1 =	slt.u32 s9, $0xF7A;
	s5 =	simm.s32 @!p2 $0x0  }
0x1d: {  	s5 =	simm.s32 @p1 $0x1;
	p0 =	seq.s32 s7, s2  }
0x1e: {  	s7 =	smul.u32 @!p0 $0xF7A, s2;
	p2 =	seq.s32 @!p0 s5, $0x0  }
0x1f: {  	s9 =	smul.u32 $0xF7A, s1;
	s8 =	simm.s32 @!p0 $0x1BF5;
	p2 =	por !p2, p0  }
0x20: {  	[sflag:s8] =	ssyncset.s32 @!p0 $0xFFFFF086;
	s6 =	sadd.s32 @!p0 s3, s7;
	s7 =	simm.s32 @!p0 $0x108  }
0x21: {  	s3 =	sadd.s32 s3, s9;
	s6 =	sadd.s32 @!p0 $0x88, s6;
	s7 =	simm.s32 @p2 $0x1082  }
0x22: {  	[simem:s7], [sflag:s8] =	dma.local @!p0 [hbm:s6], $0xF7A  }
0x23: {  	s9 =	sor.u32 $0xD0000000, s2;
	s6 =	simm.s32 $0x108;
	_ =	swait.ge @!p0 [sflag:s8], $0x0  }
0x24: {  	s3 =	sadd.s32 $0x88, s3;
	s6 =	simm.s32 @!p1 $0x1082;
	[sflag:s4] =	ssyncset.s32 $0xFFFFF086  }
0x25: {  	[simem:s6], [sflag:s4] =	dma.local [hbm:s3], $0xF7A  }
0x26: {  	[smem:$0x3F96] =	sst s1;
	(tag) =	ssettag s2;
	_ =	strace s9  }
0x27: {  	s1 =	sld [smem:$0x3FA6]  }
0x28: {  	s2 =	sld [smem:$0x3FA7]  }
0x29: {  	s4 =	sld [smem:$0x3FA9]  }
0x2a: {  	p0 =	seq.s32 s5, $0x0;
	s5 =	sld [smem:$0x3FAA]  }
0x2b: {  	s6 =	sld [smem:$0x3FAB]  }
0x2c: {  	s7 =	sld [smem:$0x3FAC]  }
0x2d: {  	s3 =	simm.s32 $0x108;
	s8 =	sld [smem:$0x3FAD]  }
0x2e: {  	s3 =	simm.s32 @!p0 $0x1082;
	s9 =	sld [smem:$0x3FAE]  }
0x2f: {  	lr =	sadd.s32 s0, s3;
	s0 =	sld [smem:$0x3FA5]  }
0x30: {  	s3 =	sld [smem:$0x3FA8]  }
0x31: {  	[smem:$0x3FB1] =	sst s10  }
0x32: {  	s10 =	sld [smem:$0x3FAF];
	_ =	sdelay $0x3  }
0x33: {  	p0 =	seq.s32 s10, $0x1;
	s10 =	sld [smem:$0x3FB1];
	_ =	sdelay $0x3  }
0x34: {  	[smem:$0x3FB1] =	sst s10  }
0x35: {  	s10 =	sld [smem:$0x3FB0];
	_ =	sdelay $0x3  }
0x36: {  	p1 =	seq.s32 s10, $0x1;
	s10 =	sld [smem:$0x3FB1];
	_ =	sdelay $0x3  }
0x37: {  	[smem:$0x3FB1] =	sst s10  }
0x38: {  	s10 =	sld [smem:$0x3FB2]  }
0x39: {  	_ = 	snop;
	(pc) =	sbr.ind lr, $3  }
0x3a: {  	_ = 	snop  }
0x3b: {  	_ = 	snop  }
0x3c: {  	p2 =	seq.s32 s10, $0x1;
	s10 =	sld [smem:$0x3FB1]  }
0x3d: {  	_ =	shalt  }
0x3e: {  	_ =	shalt  }
0x3f: {  	_ =	shalt  }
0x40: {  	_ =	shalt  }
0x41: {  	_ =	shalt  }
0x42: {  	_ =	shalt  }
0x43: {  	_ =	shalt  }
0x44: {  	_ =	shalt  }
0x45: {  	_ =	shalt  }
0x46: {  	_ =	shalt  }
0x47: {  	_ =	shalt  }
0x48: {  	_ =	shalt  }
0x49: {  	_ =	shalt  }
0x4a: {  	_ =	shalt  }
0x4b: {  	_ =	shalt  }
0x4c: {  	_ =	shalt  }
0x4d: {  	_ =	shalt  }
0x4e: {  	_ =	shalt  }
0x4f: {  	_ =	shalt  }
0x50: {  	_ =	shalt  }
0x51: {  	_ =	shalt  }
0x52: {  	_ =	shalt  }
0x53: {  	_ =	shalt  }
0x54: {  	_ =	shalt  }
0x55: {  	_ =	shalt  }
0x56: {  	_ =	shalt  }
0x57: {  	_ =	shalt  }
0x58: {  	_ =	shalt  }
0x59: {  	_ =	shalt  }
0x5a: {  	_ =	shalt  }
0x5b: {  	_ =	shalt  }
0x5c: {  	_ =	shalt  }
0x5d: {  	_ =	shalt  }
0x5e: {  	_ =	shalt  }
0x5f: {  	_ =	shalt  }
0x60: {  	_ =	shalt  }
0x61: {  	_ =	shalt  }
0x62: {  	_ =	shalt  }
0x63: {  	_ =	shalt  }
0x64: {  	_ =	shalt  }
0x65: {  	_ =	shalt  }
0x66: {  	_ =	shalt  }
0x67: {  	_ =	shalt  }
0x68: {  	_ =	shalt  }
0x69: {  	_ =	shalt  }
0x6a: {  	_ =	shalt  }
0x6b: {  	_ =	shalt  }
0x6c: {  	_ =	shalt  }
0x6d: {  	_ =	shalt  }
0x6e: {  	_ =	shalt  }
0x6f: {  	_ =	shalt  }
0x70: {  	_ =	shalt  }
0x71: {  	_ =	shalt  }
0x72: {  	_ =	shalt  }
0x73: {  	_ =	shalt  }
0x74: {  	_ =	shalt  }
0x75: {  	_ =	shalt  }
0x76: {  	_ =	shalt  }
0x77: {  	_ =	shalt  }
0x78: {  	_ =	shalt  }
0x79: {  	_ =	shalt  }
0x7a: {  	_ =	shalt  }
0x7b: {  	_ =	shalt  }
0x7c: {  	_ =	shalt  }
0x7d: {  	_ =	shalt  }
0x7e: {  	_ =	shalt  }
0x7f: {  	_ =	shalt  }
0x80: {  	_ =	shalt  }
0x81: {  	_ =	shalt  }
0x82: {  	_ =	shalt  }
0x83: {  	_ =	shalt  }
0x84: {  	_ =	shalt  }
0x85: {  	_ =	shalt  }
0x86: {  	_ =	shalt  }
0x87: {  	_ =	shalt  }
.Lfunc_end0:
.L_simem_size_0:
called_computation.1_lowered:
.L_overlay_start_0:
0x88: {  	s2 =	sld [smem:$0x3FD9]  }
0x89: {  	s3 =	sld [smem:$0x3FFE];
	_ =	sdelay $0x1  }
0x8a: {  	s1 =	srdreg.scid  }
0x8b: {  	s0 =	sand.u32 $0x1, s1  }
0x8c: {  	s16 =	sshll.u32 s0, $0xA;
	s2 =	sadd.s32 s3, s2  }
0x8d: {  	s2 =	sadd.s32 s2, s16  }
0x8e: {  	[smem:$0x3FBD] =	sst s2  }
0x8f: {  	_ = 	snop  }
0x90: {  	(tm) =	ssettm $0x1  }
0x91: {  	s17 =	sld [smem:$0x3FFB];
	_ =	sdelay $0x3  }
0x92: {  	_ =	strace s17  }
0x93: {  	s2 =	sld [smem:$0x3FFC];
	_ =	sdelay $0x3  }
0x94: {  	_ =	strace s2  }
0x95: {  	s2 =	sld [smem:$0x3FFD];
	_ =	sdelay $0x3  }
0x96: {  	_ =	strace s2  }
0x97: {  	_ =	strace $0x8FFFFFFF  }
0x98: {  	s18 =	sld [smem:$0x3FDB];
	_ =	sdelay $0x1  }
0x99: {  	s19 =	simm.s32 $_scs_section_size  }
0x9a: {  	s4 =	simm.s32 $_size__tile_overlayer_lowered;
	s5 =	simm.s32 $_tile_overlayer_lowered  }
0x9b: {  	s22 =	simm.s32 $0x1BFF;
	s21 =	sshll.u32 s5, $0x1;
	s2 =	sadd.s32 s19, s18  }
0x9c: {  	s6 =	simm.s32 $0x0;
	s20 =	sshll.u32 s4, $0x1;
	s4 =	sadd.s32 s21, s2  }
0x9d: {  	[timem:s6], [sflag:s22] =	dma.local [hbm:s4], s20  }
0x9e: {  	_ =	swait.ge [sflag:s22], s20  }
0x9f: {  	s3 =	ssub.s32 $0x0, s20;
	[sflag:s22] =	ssyncset.done $0x0  }
0xa0: {  	[sflag:s22] =	ssyncadd.s32 s3;
	_ =	sdelay $0x1  }
0xa1: {  	s23 =	simm.s32 $0x1B8B  }
0xa2: {  	_ =	swait.ge [sflag:s23], $0x1  }
0xa3: {  	[sflag:s23] =	ssyncset.done $0x0  }
0xa4: {  	s25 =	simm.s32 $0x1B8E;
	s24 =	sld [smem:$0x3FFE];
	[sflag:s23] =	ssyncadd.s32 $0xFFFFFFFF  }
0xa5: {  	s26 =	simm.s32 $execute0_lowered;
	[smem:$0x3FD2] =	sst s25  }
0xa6: {  	s4 =	sshll.u32 s26, $0x1;
	_ =	strace $0x80000049;
	[dreg:$0x1] =	wrdreg $0xFFFFFFFF  }
0xa7: {  	s28 =	simm.s32 $_size_execute0_lowered;
	s2 =	sadd.s32 s2, s4;
	[dreg:$0x0] =	wrdreg $0x0  }
0xa8: {  	s4 =	sshll.u32 s28, $0x1;
	[dreg:$0x2] =	wrdreg s2  }
0xa9: {  	[dreg:$0x3] =	wrdreg s4  }
0xaa: {  	[dreg:$0x4] =	wrdreg $0xC0  }
0xab: {  	_ =	task [dreg:s6], $0x5FFFF  }
0xac: {  	[dreg:$0x1] =	wrdreg $0xFFFFFFFF  }
0xad: {  	[dreg:$0x0] =	wrdreg $0x60  }
0xae: {  	[dreg:$0x2] =	wrdreg s24  }
0xaf: {  	[dreg:$0x3] =	wrdreg $0x9  }
0xb0: {  	_ =	task.clear_ibuf [dreg:s6], $0x4FFFF;
	_ =	strace $0x90000049  }
0xb1: {  	s29 =	simm.s32 $0x9;
	_ =	strace $0x8000004B  }
0xb2: {  	_ =	swait.ge [sflag:s29], $0x1  }
0xb3: {  	[sflag:s29] =	ssyncadd.s32 $0xFFFFFFFF  }
0xb4: {  	_ =	strace $0x9000004B  }
0xb5: {  	_ =	sfence  }
0xb6: {  	s30 =	sld [smem:$0x0];
	_ =	sdelay $0x2  }
0xb7: {  	s31 =	sshll.u32 s1, $0xD;
	s1 =	sshrl.u32 s1, $0x2  }
0xb8: {  	s3 =	sand.u32 $0x4000, s31;
	s1 =	sadd.s32 s1, s30  }
0xb9: {  	s0 =	sor.u32 s3, s0;
	s1 =	sshll.u32 s1, $0x11  }
0xba: {  	s0 =	sor.u32 s1, s0  }
0xbb: {  	s0 =	sadd.s32 $0x8F2B, s0  }
0xbc: {  	[sflag:s0] =	ssyncadd.remote.s32 $0x1  }
0xbd: {  	_ =	sfence.sel $0xFFFF  }
0xbe: {  	[dreg:$0x0] =	wrdreg $0xFFFFFFFF;
	(pc) =	sbr.abs _section_cstart, $3  }
0xbf: {  	[dreg:$0x1] =	wrdreg $0xFFFFFFFF  }
0xc0: {  	_ =	task.clear_ibuf [dreg:s6], $0x2FFFF;
	_ =	strace $0x9FFFFFFF  }
0xc1: {  	(tm) =	ssettm $0x7FFFFFFF  }
tec
execute0_lowered:
.L_overlay_start_1:
0x0: {  	(tag) =	ssettag $0x1  }
0x1: {  	s1 =	srdreg.scid;
	s0 =	stileid.u32  }
0x2: {  	s4 =	rddreg [dreg:$0x0];
	s2 =	simm.s32 $0x0;
	s10 =	simm.s32 $0x3  }
0x3: {  	s11 =	simm.s32 $0x80;
	s12 =	simm.s32 $0x50;
	s13 =	simm.s32 $0x100  }
0x4: {  	s14 =	simm.s32 $0x1;
	s15 =	simm.s32 $0x2900;
	s16 =	simm.s32 $0x2  }
0x5: {  	s3 =	sand.u32 $0x1, s1;
	s5 =	smul.u32 $0x4E20, s0;
	s1 =	rddreg [dreg:$0x1]  }
0x6: {  	s17 =	simm.s32 $0x0;
	[smem:$0x7FF] =	sst s2;
	s6 =	smul.u32 $0x2710, s3  }
0x7: {  	s29 =	smul.u32 $0x4E200, s0;
	_ =	strace $0x8000004A;
	s7 =	ssub.s32 $0x2, s3  }
0x8: {  	s8 =	smul.u32 $0x27100, s3;
	s3 =	sadd.s32 $0x1400, s4;
	s5 =	sadd.s32 s6, s5  }
0x9: {  	s30 =	sshrl.u32 s7, $0x1;
	s6 =	sadd.s32 s29, s4;
	s5 =	sshrl.u32 s5, $0x3  }
0xa: {  	s31 =	sadd.s32 s8, s6;
	s9 =	sadd.s32 s5, s4;
	s5 =	ssub.s32 s7, s30  }
0xb: {  	s4 =	sadd.s32 $0x3D200, s4;
	s6 =	sadd.s32 $0x65200, s31;
	s7 =	sadd.s32 $0x547200, s31  }
0xc: {  	s5 =	smax.u32 s5, $0x1;
	s8 =	sadd.s32 $0x33400, s9;
	s9 =	sadd.s32 $0x29600, s9  }
.LBB2_1:
0xd: {  	s18 =	sadd.s32 $0x0, s9  }
0xe: {  	[tilespmem:s2], [sflag:$0x3] =	stream.linear.gather [hbm4b:s18+s2], $0x50, $0x38;
	[tilespmem:$0x5100] =	vst v63  }
0xf: {  	_ =	swait.ge [sflag:s10], $0x50  }
0x10: {  	[sflag:s10] =	ssyncset.done $0x0  }
0x11: {  	s31 =	sadd.s32 $0x0, s8;
	[sflag:s10] =	ssyncadd.s32 $0xFFFFFFB0  }
0x12: {  	[tilespmem:s11], [sflag:$0x3] =	stream.linear.gather [hbm4b:s31+s2], $0x50, $0x38;
	[tilespmem:$0x5100] =	vst v63  }
0x13: {  	_ =	swait.ge [sflag:s10], $0x50  }
0x14: {  	[sflag:s10] =	ssyncset.done $0x0  }
0x15: {  	[sflag:s10] =	ssyncadd.s32 $0xFFFFFFB0  }
0x16: {  	[tilespmem:s13], [sflag:$0x1] =	stream.indirect.gather [hbm4b:s3+s12], $0x80, s2, s12, $0xb8;
	[tilespmem:$0x5100] =	vst v63  }
0x17: {  	_ =	swait.ge [sflag:s14], $0x2800  }
0x18: {  	[sflag:s14] =	ssyncset.done $0x0  }
0x19: {  	[sflag:s14] =	ssyncadd.s32 $0xFFFFD800  }
0x1a: {  	[hbm4b:s6+s2] =	stream.linear.scatter [tilespmem:s13], [sflag:$0x3], $0x2800, $0x38;
	[tilespmem:$0x5100] =	vst v63  }
0x1b: {  	_ =	swait.ge [sflag:s10], $0x2800  }
0x1c: {  	[sflag:s10] =	ssyncset.done $0x0  }
0x1d: {  	[sflag:s10] =	ssyncadd.s32 $0xFFFFD800  }
0x1e: {  	[tilespmem:s15], [sflag:$0x2] =	stream.indirect.gather [hbm4b:s4+s12], $0x80, s11, s12, $0xb8;
	[tilespmem:$0x5100] =	vst v63  }
0x1f: {  	_ =	swait.ge [sflag:s16], $0x2800  }
0x20: {  	[sflag:s16] =	ssyncset.done $0x0  }
0x21: {  	[sflag:s16] =	ssyncadd.s32 $0xFFFFD800  }
0x22: {  	[hbm4b:s7+s2] =	stream.linear.scatter [tilespmem:s15], [sflag:$0x3], $0x2800, $0x38;
	[tilespmem:$0x5100] =	vst v63  }
0x23: {  	s20 =	simm.s32 $0xA;
	s21 =	simm.s32 $0x14;
	_ =	swait.ge [sflag:s10], $0x2800  }
0x24: {  	s19 =	sadd.s32 $0x500, s6;
	s18 =	sadd.s32 $0x500, s7;
	[sflag:s10] =	ssyncset.done $0x0  }
.LBB2_2:
0x25: {  	s22 =	sadd.s32 s20, s9  }
0x26: {  	[sflag:s10] =	ssyncadd.s32 $0xFFFFD800;
	s23 =	smov.u32 s21;
	s24 =	sadd.s32 $0xA, s21  }
0x27: {  	[tilespmem:s2], [sflag:$0x3] =	stream.linear.gather [hbm4b:s22+s2], $0x50, $0x38;
	[tilespmem:$0x5100] =	vst v63  }
0x28: {  	p0 =	sne.s32 s21, $0x4D8;
	_ =	swait.ge [sflag:s10], $0x50  }
0x29: {  	[sflag:s10] =	ssyncset.done $0x0  }
0x2a: {  	s21 =	sadd.s32 s20, s8;
	s20 =	smov.u32 s23;
	[sflag:s10] =	ssyncadd.s32 $0xFFFFFFB0  }
0x2b: {  	[tilespmem:s11], [sflag:$0x3] =	stream.linear.gather [hbm4b:s21+s2], $0x50, $0x38;
	[tilespmem:$0x5100] =	vst v63  }
0x2c: {  	_ =	swait.ge [sflag:s10], $0x50  }
0x2d: {  	[sflag:s10] =	ssyncset.done $0x0  }
0x2e: {  	[sflag:s10] =	ssyncadd.s32 $0xFFFFFFB0  }
0x2f: {  	[tilespmem:s13], [sflag:$0x1] =	stream.indirect.gather [hbm4b:s3+s12], $0x80, s2, s12, $0xb8;
	[tilespmem:$0x5100] =	vst v63  }
0x30: {  	_ =	swait.ge [sflag:s14], $0x2800  }
0x31: {  	[sflag:s14] =	ssyncset.done $0x0  }
0x32: {  	[sflag:s14] =	ssyncadd.s32 $0xFFFFD800  }
0x33: {  	[hbm4b:s19+s2] =	stream.linear.scatter [tilespmem:s13], [sflag:$0x3], $0x2800, $0x38;
	[tilespmem:$0x5100] =	vst v63  }
0x34: {  	_ =	swait.ge [sflag:s10], $0x2800  }
0x35: {  	[sflag:s10] =	ssyncset.done $0x0  }
0x36: {  	[sflag:s10] =	ssyncadd.s32 $0xFFFFD800  }
0x37: {  	[tilespmem:s15], [sflag:$0x2] =	stream.indirect.gather [hbm4b:s4+s12], $0x80, s11, s12, $0xb8;
	[tilespmem:$0x5100] =	vst v63  }
0x38: {  	_ =	swait.ge [sflag:s16], $0x2800  }
.Ltmp0:
0x39: {  	[sflag:s16] =	ssyncset.done $0x0;
	(pc) =	sbr.rel @p0 .LBB2_2-.Ltmp0, $4  }
0x3a: {  	[sflag:s16] =	ssyncadd.s32 $0xFFFFD800  }
0x3b: {  	[hbm4b:s18+s2] =	stream.linear.scatter [tilespmem:s15], [sflag:$0x3], $0x2800, $0x38;
	[tilespmem:$0x5100] =	vst v63  }
0x3c: {  	s21 =	smov.u32 s24;
	_ =	swait.ge [sflag:s10], $0x2800  }
0x3d: {  	s19 =	sadd.s32 $0x500, s19;
	s18 =	sadd.s32 $0x500, s18;
	[sflag:s10] =	ssyncset.done $0x0  }
0x3e: {  	s21 =	sadd.s32 s20, s9;
	[sflag:s10] =	ssyncadd.s32 $0xFFFFD800  }
0x3f: {  	[tilespmem:s2], [sflag:$0x3] =	stream.linear.gather [hbm4b:s21+s2], $0x50, $0x38;
	[tilespmem:$0x5100] =	vst v63  }
0x40: {  	_ =	swait.ge [sflag:s10], $0x50  }
0x41: {  	[sflag:s10] =	ssyncset.done $0x0  }
0x42: {  	s31 =	sadd.s32 s20, s8;
	[sflag:s10] =	ssyncadd.s32 $0xFFFFFFB0  }
0x43: {  	[tilespmem:s11], [sflag:$0x3] =	stream.linear.gather [hbm4b:s31+s2], $0x50, $0x38;
	[tilespmem:$0x5100] =	vst v63  }
0x44: {  	_ =	swait.ge [sflag:s10], $0x50  }
0x45: {  	[sflag:s10] =	ssyncset.done $0x0  }
0x46: {  	[sflag:s10] =	ssyncadd.s32 $0xFFFFFFB0  }
0x47: {  	[tilespmem:s13], [sflag:$0x1] =	stream.indirect.gather [hbm4b:s3+s12], $0x80, s2, s12, $0xb8;
	[tilespmem:$0x5100] =	vst v63  }
0x48: {  	_ =	swait.ge [sflag:s14], $0x2800  }
0x49: {  	[sflag:s14] =	ssyncset.done $0x0  }
0x4a: {  	[sflag:s14] =	ssyncadd.s32 $0xFFFFD800  }
0x4b: {  	[hbm4b:s19+s2] =	stream.linear.scatter [tilespmem:s13], [sflag:$0x3], $0x2800, $0x38;
	[tilespmem:$0x5100] =	vst v63  }
0x4c: {  	_ =	swait.ge [sflag:s10], $0x2800  }
0x4d: {  	[sflag:s10] =	ssyncset.done $0x0  }
0x4e: {  	[sflag:s10] =	ssyncadd.s32 $0xFFFFD800  }
0x4f: {  	[tilespmem:s15], [sflag:$0x2] =	stream.indirect.gather [hbm4b:s4+s12], $0x80, s11, s12, $0xb8;
	[tilespmem:$0x5100] =	vst v63  }
0x50: {  	s17 =	sadd.s32 $0x1, s17;
	_ =	swait.ge [sflag:s16], $0x2800  }
0x51: {  	p0 =	sne.s32 s17, s5;
	[sflag:s16] =	ssyncset.done $0x0  }
.Ltmp1:
0x52: {  	[sflag:s16] =	ssyncadd.s32 $0xFFFFD800;
	(pc) =	sbr.rel @p0 .LBB2_1-.Ltmp1, $4  }
0x53: {  	[hbm4b:s18+s2] =	stream.linear.scatter [tilespmem:s15], [sflag:$0x3], $0x2800, $0x38;
	[tilespmem:$0x5100] =	vst v63  }
0x54: {  	_ =	swait.ge [sflag:s10], $0x2800  }
0x55: {  	[sflag:s10] =	ssyncset.done $0x0  }
0x56: {  	[sflag:s10] =	ssyncadd.s32 $0xFFFFD800  }
0x57: {  	_ =	sfence.sel $0x180000  }
0x58: {  	[bflag:$0x0] =	sbarrier.arrive $0xFFFF  }
0x59: {  	p0 =	sne.s32 s0, $0x0;
	_ =	strace $0x9000004A  }
0x5a: {  	s0 =	sadd.s32 @!p0 $0x100000, s1;
	[bflag:$0x2] =	sbarrier.arrive $0xFFFF  }
0x5b: {  	[sflag:s0] =	ssyncadd.tile.s32 @!p0 $0x1;
	_ =	shalt  }
.Lfunc_end2:
_tile_overlayer_lowered:
.L_overlay_start_2:
0x5c: {  	(tag) =	ssettag $0x2  }
0x5d: {  	s0 =	rddreg [dreg:$0x0];
	s2 =	stileid.u32  }
0x5e: {  	s1 =	rddreg [dreg:$0x1];
	p0 =	sne.s32 s2, $0x0  }
0x5f: {  	s3 =	rddreg [dreg:$0x2];
	[bflag:$0x3] =	sbarrier.arrive $0xFFFF;
	s2 =	simm.s32 @!p0 $0x1C03  }
0x60: {  	[timem:s3], [sflag:s2] =	dma.local @!p0 [hbm:s0], s1  }
0x61: {  	s0 =	simm.s32 @!p0 $0x3  }
0x62: {  	_ =	swait.ge @!p0 [sflag:s0], s1  }
0x63: {  	s1 =	ssub.s32 @!p0 $0x0, s1;
	[sflag:s0] =	ssyncset.done @!p0 $0x0  }
0x64: {  	[sflag:s0] =	ssyncadd.s32 @!p0 s1  }
0x65: {  	[bflag:$0x3] =	sbarrier.arrive $0xFFFF  }
0x66: {  	_ =	shalt  }

// kernel: gat_edge_gather_l2.3.cloned.1.call-start
scs
__scs_entry_jumppad:
0x0: {  	(pc) =	sbr.rel $0x88, $3  }
0x1: {  	(tag) =	ssettag $0x0;
	lr =	simm.s32 $0x1  }
0x2: {  	[smem:$0x3F96] =	sst lr;
	_ =	strace $0xD0000000  }
0x3: {  	_ = 	snop  }
0x4: {  	_ = 	snop  }
0x5: {  	_ = 	snop  }
0x6: {  	_ = 	snop  }
0x7: {  	_ = 	snop  }
__scs_overlays_trampoline_lowered:
0x8: {  	[smem:$0x3FA5] =	sst s0  }
0x9: {  	[smem:$0x3FA6] =	sst s1  }
0xa: {  	[smem:$0x3FA7] =	sst s2  }
0xb: {  	[smem:$0x3FA8] =	sst s3  }
0xc: {  	[smem:$0x3FA9] =	sst s4  }
0xd: {  	[smem:$0x3FAA] =	sst s5  }
0xe: {  	[smem:$0x3FAB] =	sst s6  }
0xf: {  	[smem:$0x3FAC] =	sst s7  }
0x10: {  	[smem:$0x3FAD] =	sst s8  }
0x11: {  	[smem:$0x3FAE] =	sst s9;
	s0 =	simm.s32 @!p0 $0x0  }
0x12: {  	s1 =	sld [smem:$0x3F94];
	s0 =	simm.s32 @p0 $0x1  }
0x13: {  	[smem:$0x3FAF] =	sst s0;
	s0 =	simm.s32 @!p1 $0x0  }
0x14: {  	s2 =	sld [smem:$0x3F93];
	s0 =	simm.s32 @p1 $0x1  }
0x15: {  	[smem:$0x3FB0] =	sst s0;
	s0 =	simm.s32 @!p2 $0x0  }
0x16: {  	s3 =	sld [smem:$0x3FDB];
	s0 =	simm.s32 @p2 $0x1  }
0x17: {  	s4 =	simm.s32 $0x1BF5;
	[smem:$0x3FB2] =	sst s0  }
0x18: {  	s0 =	sld [smem:$0x3F95];
	_ =	swait.ge [sflag:s4], $0x0  }
0x19: {  	s7 =	sld [smem:$0x3F96]  }
0x1a: {  	s8 =	sadd.s32 $0xFFFFE003, lr  }
0x1b: {  	s9 =	sadd.s32 $0xFFFFFEF7, lr;
	s5 =	simm.s32 $0xFFFFFFFF;
	p2 =	slt.u32 s8, $0xFFFFF086  }
0x1c: {  	p1 =	slt.u32 s9, $0xF7A;
	s5 =	simm.s32 @!p2 $0x0  }
0x1d: {  	s5 =	simm.s32 @p1 $0x1;
	p0 =	seq.s32 s7, s2  }
0x1e: {  	s7 =	smul.u32 @!p0 $0xF7A, s2;
	p2 =	seq.s32 @!p0 s5, $0x0  }
0x1f: {  	s9 =	smul.u32 $0xF7A, s1;
	s8 =	simm.s32 @!p0 $0x1BF5;
	p2 =	por !p2, p0  }
0x20: {  	[sflag:s8] =	ssyncset.s32 @!p0 $0xFFFFF086;
	s6 =	sadd.s32 @!p0 s3, s7;
	s7 =	simm.s32 @!p0 $0x108  }
0x21: {  	s3 =	sadd.s32 s3, s9;
	s6 =	sadd.s32 @!p0 $0x88, s6;
	s7 =	simm.s32 @p2 $0x1082  }
0x22: {  	[simem:s7], [sflag:s8] =	dma.local @!p0 [hbm:s6], $0xF7A  }
0x23: {  	s9 =	sor.u32 $0xD0000000, s2;
	s6 =	simm.s32 $0x108;
	_ =	swait.ge @!p0 [sflag:s8], $0x0  }
0x24: {  	s3 =	sadd.s32 $0x88, s3;
	s6 =	simm.s32 @!p1 $0x1082;
	[sflag:s4] =	ssyncset.s32 $0xFFFFF086  }
0x25: {  	[simem:s6], [sflag:s4] =	dma.local [hbm:s3], $0xF7A  }
0x26: {  	[smem:$0x3F96] =	sst s1;
	(tag) =	ssettag s2;
	_ =	strace s9  }
0x27: {  	s1 =	sld [smem:$0x3FA6]  }
0x28: {  	s2 =	sld [smem:$0x3FA7]  }
0x29: {  	s4 =	sld [smem:$0x3FA9]  }
0x2a: {  	p0 =	seq.s32 s5, $0x0;
	s5 =	sld [smem:$0x3FAA]  }
0x2b: {  	s6 =	sld [smem:$0x3FAB]  }
0x2c: {  	s7 =	sld [smem:$0x3FAC]  }
0x2d: {  	s3 =	simm.s32 $0x108;
	s8 =	sld [smem:$0x3FAD]  }
0x2e: {  	s3 =	simm.s32 @!p0 $0x1082;
	s9 =	sld [smem:$0x3FAE]  }
0x2f: {  	lr =	sadd.s32 s0, s3;
	s0 =	sld [smem:$0x3FA5]  }
0x30: {  	s3 =	sld [smem:$0x3FA8]  }
0x31: {  	[smem:$0x3FB1] =	sst s10  }
0x32: {  	s10 =	sld [smem:$0x3FAF];
	_ =	sdelay $0x3  }
0x33: {  	p0 =	seq.s32 s10, $0x1;
	s10 =	sld [smem:$0x3FB1];
	_ =	sdelay $0x3  }
0x34: {  	[smem:$0x3FB1] =	sst s10  }
0x35: {  	s10 =	sld [smem:$0x3FB0];
	_ =	sdelay $0x3  }
0x36: {  	p1 =	seq.s32 s10, $0x1;
	s10 =	sld [smem:$0x3FB1];
	_ =	sdelay $0x3  }
0x37: {  	[smem:$0x3FB1] =	sst s10  }
0x38: {  	s10 =	sld [smem:$0x3FB2]  }
0x39: {  	_ = 	snop;
	(pc) =	sbr.ind lr, $3  }
0x3a: {  	_ = 	snop  }
0x3b: {  	_ = 	snop  }
0x3c: {  	p2 =	seq.s32 s10, $0x1;
	s10 =	sld [smem:$0x3FB1]  }
0x3d: {  	_ =	shalt  }
0x3e: {  	_ =	shalt  }
0x3f: {  	_ =	shalt  }
0x40: {  	_ =	shalt  }
0x41: {  	_ =	shalt  }
0x42: {  	_ =	shalt  }
0x43: {  	_ =	shalt  }
0x44: {  	_ =	shalt  }
0x45: {  	_ =	shalt  }
0x46: {  	_ =	shalt  }
0x47: {  	_ =	shalt  }
0x48: {  	_ =	shalt  }
0x49: {  	_ =	shalt  }
0x4a: {  	_ =	shalt  }
0x4b: {  	_ =	shalt  }
0x4c: {  	_ =	shalt  }
0x4d: {  	_ =	shalt  }
0x4e: {  	_ =	shalt  }
0x4f: {  	_ =	shalt  }
0x50: {  	_ =	shalt  }
0x51: {  	_ =	shalt  }
0x52: {  	_ =	shalt  }
0x53: {  	_ =	shalt  }
0x54: {  	_ =	shalt  }
0x55: {  	_ =	shalt  }
0x56: {  	_ =	shalt  }
0x57: {  	_ =	shalt  }
0x58: {  	_ =	shalt  }
0x59: {  	_ =	shalt  }
0x5a: {  	_ =	shalt  }
0x5b: {  	_ =	shalt  }
0x5c: {  	_ =	shalt  }
0x5d: {  	_ =	shalt  }
0x5e: {  	_ =	shalt  }
0x5f: {  	_ =	shalt  }
0x60: {  	_ =	shalt  }
0x61: {  	_ =	shalt  }
0x62: {  	_ =	shalt  }
0x63: {  	_ =	shalt  }
0x64: {  	_ =	shalt  }
0x65: {  	_ =	shalt  }
0x66: {  	_ =	shalt  }
0x67: {  	_ =	shalt  }
0x68: {  	_ =	shalt  }
0x69: {  	_ =	shalt  }
0x6a: {  	_ =	shalt  }
0x6b: {  	_ =	shalt  }
0x6c: {  	_ =	shalt  }
0x6d: {  	_ =	shalt  }
0x6e: {  	_ =	shalt  }
0x6f: {  	_ =	shalt  }
0x70: {  	_ =	shalt  }
0x71: {  	_ =	shalt  }
0x72: {  	_ =	shalt  }
0x73: {  	_ =	shalt  }
0x74: {  	_ =	shalt  }
0x75: {  	_ =	shalt  }
0x76: {  	_ =	shalt  }
0x77: {  	_ =	shalt  }
0x78: {  	_ =	shalt  }
0x79: {  	_ =	shalt  }
0x7a: {  	_ =	shalt  }
0x7b: {  	_ =	shalt  }
0x7c: {  	_ =	shalt  }
0x7d: {  	_ =	shalt  }
0x7e: {  	_ =	shalt  }
0x7f: {  	_ =	shalt  }
0x80: {  	_ =	shalt  }
0x81: {  	_ =	shalt  }
0x82: {  	_ =	shalt  }
0x83: {  	_ =	shalt  }
0x84: {  	_ =	shalt  }
0x85: {  	_ =	shalt  }
0x86: {  	_ =	shalt  }
0x87: {  	_ =	shalt  }
.Lfunc_end0:
.L_simem_size_0:
called_computation.3_lowered:
.L_overlay_start_0:
0x88: {  	s2 =	sld [smem:$0x3FD9]  }
0x89: {  	s3 =	sld [smem:$0x3FFE];
	_ =	sdelay $0x1  }
0x8a: {  	s1 =	srdreg.scid  }
0x8b: {  	s0 =	sand.u32 $0x1, s1  }
0x8c: {  	s16 =	sshll.u32 s0, $0xA;
	s2 =	sadd.s32 s3, s2  }
0x8d: {  	s2 =	sadd.s32 s2, s16  }
0x8e: {  	[smem:$0x3FBD] =	sst s2  }
0x8f: {  	_ = 	snop  }
0x90: {  	(tm) =	ssettm $0x1  }
0x91: {  	s17 =	sld [smem:$0x3FFB];
	_ =	sdelay $0x3  }
0x92: {  	_ =	strace s17  }
0x93: {  	s2 =	sld [smem:$0x3FFC];
	_ =	sdelay $0x3  }
0x94: {  	_ =	strace s2  }
0x95: {  	s2 =	sld [smem:$0x3FFD];
	_ =	sdelay $0x3  }
0x96: {  	_ =	strace s2  }
0x97: {  	_ =	strace $0x8FFFFFFF  }
0x98: {  	s18 =	sld [smem:$0x3FDB];
	_ =	sdelay $0x1  }
0x99: {  	s19 =	simm.s32 $_scs_section_size  }
0x9a: {  	s4 =	simm.s32 $_size__tile_overlayer_lowered;
	s5 =	simm.s32 $_tile_overlayer_lowered  }
0x9b: {  	s22 =	simm.s32 $0x1BFF;
	s21 =	sshll.u32 s5, $0x1;
	s2 =	sadd.s32 s19, s18  }
0x9c: {  	s6 =	simm.s32 $0x0;
	s20 =	sshll.u32 s4, $0x1;
	s4 =	sadd.s32 s21, s2  }
0x9d: {  	[timem:s6], [sflag:s22] =	dma.local [hbm:s4], s20  }
0x9e: {  	_ =	swait.ge [sflag:s22], s20  }
0x9f: {  	s3 =	ssub.s32 $0x0, s20;
	[sflag:s22] =	ssyncset.done $0x0  }
0xa0: {  	[sflag:s22] =	ssyncadd.s32 s3;
	_ =	sdelay $0x1  }
0xa1: {  	s23 =	simm.s32 $0x1B8B  }
0xa2: {  	_ =	swait.ge [sflag:s23], $0x1  }
0xa3: {  	[sflag:s23] =	ssyncset.done $0x0  }
0xa4: {  	s25 =	simm.s32 $0x1B8E;
	s24 =	sld [smem:$0x3FFE];
	[sflag:s23] =	ssyncadd.s32 $0xFFFFFFFF  }
0xa5: {  	s26 =	simm.s32 $execute0_lowered;
	[smem:$0x3FD2] =	sst s25  }
0xa6: {  	s4 =	sshll.u32 s26, $0x1;
	_ =	strace $0x8000004F;
	[dreg:$0x1] =	wrdreg $0xFFFFFFFF  }
0xa7: {  	s28 =	simm.s32 $_size_execute0_lowered;
	s2 =	sadd.s32 s2, s4;
	[dreg:$0x0] =	wrdreg $0x0  }
0xa8: {  	s4 =	sshll.u32 s28, $0x1;
	[dreg:$0x2] =	wrdreg s2  }
0xa9: {  	[dreg:$0x3] =	wrdreg s4  }
0xaa: {  	[dreg:$0x4] =	wrdreg $0xC0  }
0xab: {  	_ =	task [dreg:s6], $0x5FFFF  }
0xac: {  	[dreg:$0x1] =	wrdreg $0xFFFFFFFF  }
0xad: {  	[dreg:$0x0] =	wrdreg $0x60  }
0xae: {  	[dreg:$0x2] =	wrdreg s24  }
0xaf: {  	[dreg:$0x3] =	wrdreg $0x9  }
0xb0: {  	_ =	task.clear_ibuf [dreg:s6], $0x4FFFF;
	_ =	strace $0x9000004F  }
0xb1: {  	s29 =	simm.s32 $0x9;
	_ =	strace $0x80000051  }
0xb2: {  	_ =	swait.ge [sflag:s29], $0x1  }
0xb3: {  	[sflag:s29] =	ssyncadd.s32 $0xFFFFFFFF  }
0xb4: {  	_ =	strace $0x90000051  }
0xb5: {  	_ =	sfence  }
0xb6: {  	s30 =	sld [smem:$0x0];
	_ =	sdelay $0x2  }
0xb7: {  	s31 =	sshll.u32 s1, $0xD;
	s1 =	sshrl.u32 s1, $0x2  }
0xb8: {  	s3 =	sand.u32 $0x4000, s31;
	s1 =	sadd.s32 s1, s30  }
0xb9: {  	s0 =	sor.u32 s3, s0;
	s1 =	sshll.u32 s1, $0x11  }
0xba: {  	s0 =	sor.u32 s1, s0  }
0xbb: {  	s0 =	sadd.s32 $0x8F2B, s0  }
0xbc: {  	[sflag:s0] =	ssyncadd.remote.s32 $0x1  }
0xbd: {  	_ =	sfence.sel $0xFFFF  }
0xbe: {  	[dreg:$0x0] =	wrdreg $0xFFFFFFFF;
	(pc) =	sbr.abs _section_cstart, $3  }
0xbf: {  	[dreg:$0x1] =	wrdreg $0xFFFFFFFF  }
0xc0: {  	_ =	task.clear_ibuf [dreg:s6], $0x2FFFF;
	_ =	strace $0x9FFFFFFF  }
0xc1: {  	(tm) =	ssettm $0x7FFFFFFF  }
tec
execute0_lowered:
.L_overlay_start_1:
0x0: {  	(tag) =	ssettag $0x1  }
0x1: {  	s1 =	srdreg.scid;
	s0 =	stileid.u32  }
0x2: {  	s4 =	rddreg [dreg:$0x0];
	s2 =	simm.s32 $0x0;
	s10 =	simm.s32 $0x3  }
0x3: {  	s11 =	simm.s32 $0x80;
	s12 =	simm.s32 $0x50;
	s13 =	simm.s32 $0x100  }
0x4: {  	s14 =	simm.s32 $0x1;
	s15 =	simm.s32 $0x2900;
	s16 =	simm.s32 $0x2  }
0x5: {  	s3 =	sand.u32 $0x1, s1;
	s5 =	smul.u32 $0x4E20, s0;
	s1 =	rddreg [dreg:$0x1]  }
0x6: {  	s17 =	simm.s32 $0x0;
	[smem:$0x7FF] =	sst s2;
	s6 =	smul.u32 $0x2710, s3  }
0x7: {  	s29 =	smul.u32 $0x4E200, s0;
	_ =	strace $0x80000050;
	s7 =	ssub.s32 $0x2, s3  }
0x8: {  	s8 =	smul.u32 $0x27100, s3;
	s3 =	sadd.s32 $0x3D200, s4;
	s5 =	sadd.s32 s6, s5  }
0x9: {  	s30 =	sshrl.u32 s7, $0x1;
	s6 =	sadd.s32 s29, s4;
	s5 =	sshrl.u32 s5, $0x3  }
0xa: {  	s31 =	sadd.s32 s8, s6;
	s9 =	sadd.s32 s5, s4;
	s5 =	ssub.s32 s7, s30  }
0xb: {  	s4 =	sadd.s32 $0x65200, s4;
	s6 =	sadd.s32 $0x8D200, s31;
	s7 =	sadd.s32 $0x56F200, s31  }
0xc: {  	s5 =	smax.u32 s5, $0x1;
	s8 =	sadd.s32 $0x33400, s9;
	s9 =	sadd.s32 $0x29600, s9  }
.LBB2_1:
0xd: {  	s18 =	sadd.s32 $0x0, s9  }
0xe: {  	[tilespmem:s2], [sflag:$0x3] =	stream.linear.gather [hbm4b:s18+s2], $0x50, $0x38;
	[tilespmem:$0x5100] =	vst v63  }
0xf: {  	_ =	swait.ge [sflag:s10], $0x50  }
0x10: {  	[sflag:s10] =	ssyncset.done $0x0  }
0x11: {  	s31 =	sadd.s32 $0x0, s8;
	[sflag:s10] =	ssyncadd.s32 $0xFFFFFFB0  }
0x12: {  	[tilespmem:s11], [sflag:$0x3] =	stream.linear.gather [hbm4b:s31+s2], $0x50, $0x38;
	[tilespmem:$0x5100] =	vst v63  }
0x13: {  	_ =	swait.ge [sflag:s10], $0x50  }
0x14: {  	[sflag:s10] =	ssyncset.done $0x0  }
0x15: {  	[sflag:s10] =	ssyncadd.s32 $0xFFFFFFB0  }
0x16: {  	[tilespmem:s13], [sflag:$0x1] =	stream.indirect.gather [hbm4b:s3+s12], $0x80, s2, s12, $0xb8;
	[tilespmem:$0x5100] =	vst v63  }
0x17: {  	_ =	swait.ge [sflag:s14], $0x2800  }
0x18: {  	[sflag:s14] =	ssyncset.done $0x0  }
0x19: {  	[sflag:s14] =	ssyncadd.s32 $0xFFFFD800  }
0x1a: {  	[hbm4b:s6+s2] =	stream.linear.scatter [tilespmem:s13], [sflag:$0x3], $0x2800, $0x38;
	[tilespmem:$0x5100] =	vst v63  }
0x1b: {  	_ =	swait.ge [sflag:s10], $0x2800  }
0x1c: {  	[sflag:s10] =	ssyncset.done $0x0  }
0x1d: {  	[sflag:s10] =	ssyncadd.s32 $0xFFFFD800  }
0x1e: {  	[tilespmem:s15], [sflag:$0x2] =	stream.indirect.gather [hbm4b:s4+s12], $0x80, s11, s12, $0xb8;
	[tilespmem:$0x5100] =	vst v63  }
0x1f: {  	_ =	swait.ge [sflag:s16], $0x2800  }
0x20: {  	[sflag:s16] =	ssyncset.done $0x0  }
0x21: {  	[sflag:s16] =	ssyncadd.s32 $0xFFFFD800  }
0x22: {  	[hbm4b:s7+s2] =	stream.linear.scatter [tilespmem:s15], [sflag:$0x3], $0x2800, $0x38;
	[tilespmem:$0x5100] =	vst v63  }
0x23: {  	s20 =	simm.s32 $0xA;
	s21 =	simm.s32 $0x14;
	_ =	swait.ge [sflag:s10], $0x2800  }
0x24: {  	s19 =	sadd.s32 $0x500, s6;
	s18 =	sadd.s32 $0x500, s7;
	[sflag:s10] =	ssyncset.done $0x0  }
.LBB2_2:
0x25: {  	s22 =	sadd.s32 s20, s9  }
0x26: {  	[sflag:s10] =	ssyncadd.s32 $0xFFFFD800;
	s23 =	smov.u32 s21;
	s24 =	sadd.s32 $0xA, s21  }
0x27: {  	[tilespmem:s2], [sflag:$0x3] =	stream.linear.gather [hbm4b:s22+s2], $0x50, $0x38;
	[tilespmem:$0x5100] =	vst v63  }
0x28: {  	p0 =	sne.s32 s21, $0x4D8;
	_ =	swait.ge [sflag:s10], $0x50  }
0x29: {  	[sflag:s10] =	ssyncset.done $0x0  }
0x2a: {  	s21 =	sadd.s32 s20, s8;
	s20 =	smov.u32 s23;
	[sflag:s10] =	ssyncadd.s32 $0xFFFFFFB0  }
0x2b: {  	[tilespmem:s11], [sflag:$0x3] =	stream.linear.gather [hbm4b:s21+s2], $0x50, $0x38;
	[tilespmem:$0x5100] =	vst v63  }
0x2c: {  	_ =	swait.ge [sflag:s10], $0x50  }
0x2d: {  	[sflag:s10] =	ssyncset.done $0x0  }
0x2e: {  	[sflag:s10] =	ssyncadd.s32 $0xFFFFFFB0  }
0x2f: {  	[tilespmem:s13], [sflag:$0x1] =	stream.indirect.gather [hbm4b:s3+s12], $0x80, s2, s12, $0xb8;
	[tilespmem:$0x5100] =	vst v63  }
0x30: {  	_ =	swait.ge [sflag:s14], $0x2800  }
0x31: {  	[sflag:s14] =	ssyncset.done $0x0  }
0x32: {  	[sflag:s14] =	ssyncadd.s32 $0xFFFFD800  }
0x33: {  	[hbm4b:s19+s2] =	stream.linear.scatter [tilespmem:s13], [sflag:$0x3], $0x2800, $0x38;
	[tilespmem:$0x5100] =	vst v63  }
0x34: {  	_ =	swait.ge [sflag:s10], $0x2800  }
0x35: {  	[sflag:s10] =	ssyncset.done $0x0  }
0x36: {  	[sflag:s10] =	ssyncadd.s32 $0xFFFFD800  }
0x37: {  	[tilespmem:s15], [sflag:$0x2] =	stream.indirect.gather [hbm4b:s4+s12], $0x80, s11, s12, $0xb8;
	[tilespmem:$0x5100] =	vst v63  }
0x38: {  	_ =	swait.ge [sflag:s16], $0x2800  }
.Ltmp0:
0x39: {  	[sflag:s16] =	ssyncset.done $0x0;
	(pc) =	sbr.rel @p0 .LBB2_2-.Ltmp0, $4  }
0x3a: {  	[sflag:s16] =	ssyncadd.s32 $0xFFFFD800  }
0x3b: {  	[hbm4b:s18+s2] =	stream.linear.scatter [tilespmem:s15], [sflag:$0x3], $0x2800, $0x38;
	[tilespmem:$0x5100] =	vst v63  }
0x3c: {  	s21 =	smov.u32 s24;
	_ =	swait.ge [sflag:s10], $0x2800  }
0x3d: {  	s19 =	sadd.s32 $0x500, s19;
	s18 =	sadd.s32 $0x500, s18;
	[sflag:s10] =	ssyncset.done $0x0  }
0x3e: {  	s21 =	sadd.s32 s20, s9;
	[sflag:s10] =	ssyncadd.s32 $0xFFFFD800  }
0x3f: {  	[tilespmem:s2], [sflag:$0x3] =	stream.linear.gather [hbm4b:s21+s2], $0x50, $0x38;
	[tilespmem:$0x5100] =	vst v63  }
0x40: {  	_ =	swait.ge [sflag:s10], $0x50  }
0x41: {  	[sflag:s10] =	ssyncset.done $0x0  }
0x42: {  	s31 =	sadd.s32 s20, s8;
	[sflag:s10] =	ssyncadd.s32 $0xFFFFFFB0  }
0x43: {  	[tilespmem:s11], [sflag:$0x3] =	stream.linear.gather [hbm4b:s31+s2], $0x50, $0x38;
	[tilespmem:$0x5100] =	vst v63  }
0x44: {  	_ =	swait.ge [sflag:s10], $0x50  }
0x45: {  	[sflag:s10] =	ssyncset.done $0x0  }
0x46: {  	[sflag:s10] =	ssyncadd.s32 $0xFFFFFFB0  }
0x47: {  	[tilespmem:s13], [sflag:$0x1] =	stream.indirect.gather [hbm4b:s3+s12], $0x80, s2, s12, $0xb8;
	[tilespmem:$0x5100] =	vst v63  }
0x48: {  	_ =	swait.ge [sflag:s14], $0x2800  }
0x49: {  	[sflag:s14] =	ssyncset.done $0x0  }
0x4a: {  	[sflag:s14] =	ssyncadd.s32 $0xFFFFD800  }
0x4b: {  	[hbm4b:s19+s2] =	stream.linear.scatter [tilespmem:s13], [sflag:$0x3], $0x2800, $0x38;
	[tilespmem:$0x5100] =	vst v63  }
0x4c: {  	_ =	swait.ge [sflag:s10], $0x2800  }
0x4d: {  	[sflag:s10] =	ssyncset.done $0x0  }
0x4e: {  	[sflag:s10] =	ssyncadd.s32 $0xFFFFD800  }
0x4f: {  	[tilespmem:s15], [sflag:$0x2] =	stream.indirect.gather [hbm4b:s4+s12], $0x80, s11, s12, $0xb8;
	[tilespmem:$0x5100] =	vst v63  }
0x50: {  	s17 =	sadd.s32 $0x1, s17;
	_ =	swait.ge [sflag:s16], $0x2800  }
0x51: {  	p0 =	sne.s32 s17, s5;
	[sflag:s16] =	ssyncset.done $0x0  }
.Ltmp1:
0x52: {  	[sflag:s16] =	ssyncadd.s32 $0xFFFFD800;
	(pc) =	sbr.rel @p0 .LBB2_1-.Ltmp1, $4  }
0x53: {  	[hbm4b:s18+s2] =	stream.linear.scatter [tilespmem:s15], [sflag:$0x3], $0x2800, $0x38;
	[tilespmem:$0x5100] =	vst v63  }
0x54: {  	_ =	swait.ge [sflag:s10], $0x2800  }
0x55: {  	[sflag:s10] =	ssyncset.done $0x0  }
0x56: {  	[sflag:s10] =	ssyncadd.s32 $0xFFFFD800  }
0x57: {  	_ =	sfence.sel $0x180000  }
0x58: {  	[bflag:$0x0] =	sbarrier.arrive $0xFFFF  }
0x59: {  	p0 =	sne.s32 s0, $0x0;
	_ =	strace $0x90000050  }
0x5a: {  	s0 =	sadd.s32 @!p0 $0x100000, s1;
	[bflag:$0x2] =	sbarrier.arrive $0xFFFF  }
0x5b: {  	[sflag:s0] =	ssyncadd.tile.s32 @!p0 $0x1;
	_ =	shalt  }
.Lfunc_end2:
_tile_overlayer_lowered:
.L_overlay_start_2:
0x5c: {  	(tag) =	ssettag $0x2  }
0x5d: {  	s0 =	rddreg [dreg:$0x0];
	s2 =	stileid.u32  }
0x5e: {  	s1 =	rddreg [dreg:$0x1];
	p0 =	sne.s32 s2, $0x0  }
0x5f: {  	s3 =	rddreg [dreg:$0x2];
	[bflag:$0x3] =	sbarrier.arrive $0xFFFF;
	s2 =	simm.s32 @!p0 $0x1C03  }
0x60: {  	[timem:s3], [sflag:s2] =	dma.local @!p0 [hbm:s0], s1  }
0x61: {  	s0 =	simm.s32 @!p0 $0x3  }
0x62: {  	_ =	swait.ge @!p0 [sflag:s0], s1  }
0x63: {  	s1 =	ssub.s32 @!p0 $0x0, s1;
	[sflag:s0] =	ssyncset.done @!p0 $0x0  }
0x64: {  	[sflag:s0] =	ssyncadd.s32 @!p0 s1  }
0x65: {  	[bflag:$0x3] =	sbarrier.arrive $0xFFFF  }
0x66: {  	_ =	shalt  }

// kernel: gat_edge_scatter_l1.3.cloned.1.call-start
scs
__scs_entry_jumppad:
0x0: {  	(pc) =	sbr.rel $0x88, $3  }
0x1: {  	(tag) =	ssettag $0x0;
	lr =	simm.s32 $0x1  }
0x2: {  	[smem:$0x3F96] =	sst lr;
	_ =	strace $0xD0000000  }
0x3: {  	_ = 	snop  }
0x4: {  	_ = 	snop  }
0x5: {  	_ = 	snop  }
0x6: {  	_ = 	snop  }
0x7: {  	_ = 	snop  }
__scs_overlays_trampoline_lowered:
0x8: {  	[smem:$0x3FA5] =	sst s0  }
0x9: {  	[smem:$0x3FA6] =	sst s1  }
0xa: {  	[smem:$0x3FA7] =	sst s2  }
0xb: {  	[smem:$0x3FA8] =	sst s3  }
0xc: {  	[smem:$0x3FA9] =	sst s4  }
0xd: {  	[smem:$0x3FAA] =	sst s5  }
0xe: {  	[smem:$0x3FAB] =	sst s6  }
0xf: {  	[smem:$0x3FAC] =	sst s7  }
0x10: {  	[smem:$0x3FAD] =	sst s8  }
0x11: {  	[smem:$0x3FAE] =	sst s9;
	s0 =	simm.s32 @!p0 $0x0  }
0x12: {  	s1 =	sld [smem:$0x3F94];
	s0 =	simm.s32 @p0 $0x1  }
0x13: {  	[smem:$0x3FAF] =	sst s0;
	s0 =	simm.s32 @!p1 $0x0  }
0x14: {  	s2 =	sld [smem:$0x3F93];
	s0 =	simm.s32 @p1 $0x1  }
0x15: {  	[smem:$0x3FB0] =	sst s0;
	s0 =	simm.s32 @!p2 $0x0  }
0x16: {  	s3 =	sld [smem:$0x3FDB];
	s0 =	simm.s32 @p2 $0x1  }
0x17: {  	s4 =	simm.s32 $0x1BF5;
	[smem:$0x3FB2] =	sst s0  }
0x18: {  	s0 =	sld [smem:$0x3F95];
	_ =	swait.ge [sflag:s4], $0x0  }
0x19: {  	s7 =	sld [smem:$0x3F96]  }
0x1a: {  	s8 =	sadd.s32 $0xFFFFE003, lr  }
0x1b: {  	s9 =	sadd.s32 $0xFFFFFEF7, lr;
	s5 =	simm.s32 $0xFFFFFFFF;
	p2 =	slt.u32 s8, $0xFFFFF086  }
0x1c: {  	p1 =	slt.u32 s9, $0xF7A;
	s5 =	simm.s32 @!p2 $0x0  }
0x1d: {  	s5 =	simm.s32 @p1 $0x1;
	p0 =	seq.s32 s7, s2  }
0x1e: {  	s7 =	smul.u32 @!p0 $0xF7A, s2;
	p2 =	seq.s32 @!p0 s5, $0x0  }
0x1f: {  	s9 =	smul.u32 $0xF7A, s1;
	s8 =	simm.s32 @!p0 $0x1BF5;
	p2 =	por !p2, p0  }
0x20: {  	[sflag:s8] =	ssyncset.s32 @!p0 $0xFFFFF086;
	s6 =	sadd.s32 @!p0 s3, s7;
	s7 =	simm.s32 @!p0 $0x108  }
0x21: {  	s3 =	sadd.s32 s3, s9;
	s6 =	sadd.s32 @!p0 $0x88, s6;
	s7 =	simm.s32 @p2 $0x1082  }
0x22: {  	[simem:s7], [sflag:s8] =	dma.local @!p0 [hbm:s6], $0xF7A  }
0x23: {  	s9 =	sor.u32 $0xD0000000, s2;
	s6 =	simm.s32 $0x108;
	_ =	swait.ge @!p0 [sflag:s8], $0x0  }
0x24: {  	s3 =	sadd.s32 $0x88, s3;
	s6 =	simm.s32 @!p1 $0x1082;
	[sflag:s4] =	ssyncset.s32 $0xFFFFF086  }
0x25: {  	[simem:s6], [sflag:s4] =	dma.local [hbm:s3], $0xF7A  }
0x26: {  	[smem:$0x3F96] =	sst s1;
	(tag) =	ssettag s2;
	_ =	strace s9  }
0x27: {  	s1 =	sld [smem:$0x3FA6]  }
0x28: {  	s2 =	sld [smem:$0x3FA7]  }
0x29: {  	s4 =	sld [smem:$0x3FA9]  }
0x2a: {  	p0 =	seq.s32 s5, $0x0;
	s5 =	sld [smem:$0x3FAA]  }
0x2b: {  	s6 =	sld [smem:$0x3FAB]  }
0x2c: {  	s7 =	sld [smem:$0x3FAC]  }
0x2d: {  	s3 =	simm.s32 $0x108;
	s8 =	sld [smem:$0x3FAD]  }
0x2e: {  	s3 =	simm.s32 @!p0 $0x1082;
	s9 =	sld [smem:$0x3FAE]  }
0x2f: {  	lr =	sadd.s32 s0, s3;
	s0 =	sld [smem:$0x3FA5]  }
0x30: {  	s3 =	sld [smem:$0x3FA8]  }
0x31: {  	[smem:$0x3FB1] =	sst s10  }
0x32: {  	s10 =	sld [smem:$0x3FAF];
	_ =	sdelay $0x3  }
0x33: {  	p0 =	seq.s32 s10, $0x1;
	s10 =	sld [smem:$0x3FB1];
	_ =	sdelay $0x3  }
0x34: {  	[smem:$0x3FB1] =	sst s10  }
0x35: {  	s10 =	sld [smem:$0x3FB0];
	_ =	sdelay $0x3  }
0x36: {  	p1 =	seq.s32 s10, $0x1;
	s10 =	sld [smem:$0x3FB1];
	_ =	sdelay $0x3  }
0x37: {  	[smem:$0x3FB1] =	sst s10  }
0x38: {  	s10 =	sld [smem:$0x3FB2]  }
0x39: {  	_ = 	snop;
	(pc) =	sbr.ind lr, $3  }
0x3a: {  	_ = 	snop  }
0x3b: {  	_ = 	snop  }
0x3c: {  	p2 =	seq.s32 s10, $0x1;
	s10 =	sld [smem:$0x3FB1]  }
0x3d: {  	_ =	shalt  }
0x3e: {  	_ =	shalt  }
0x3f: {  	_ =	shalt  }
0x40: {  	_ =	shalt  }
0x41: {  	_ =	shalt  }
0x42: {  	_ =	shalt  }
0x43: {  	_ =	shalt  }
0x44: {  	_ =	shalt  }
0x45: {  	_ =	shalt  }
0x46: {  	_ =	shalt  }
0x47: {  	_ =	shalt  }
0x48: {  	_ =	shalt  }
0x49: {  	_ =	shalt  }
0x4a: {  	_ =	shalt  }
0x4b: {  	_ =	shalt  }
0x4c: {  	_ =	shalt  }
0x4d: {  	_ =	shalt  }
0x4e: {  	_ =	shalt  }
0x4f: {  	_ =	shalt  }
0x50: {  	_ =	shalt  }
0x51: {  	_ =	shalt  }
0x52: {  	_ =	shalt  }
0x53: {  	_ =	shalt  }
0x54: {  	_ =	shalt  }
0x55: {  	_ =	shalt  }
0x56: {  	_ =	shalt  }
0x57: {  	_ =	shalt  }
0x58: {  	_ =	shalt  }
0x59: {  	_ =	shalt  }
0x5a: {  	_ =	shalt  }
0x5b: {  	_ =	shalt  }
0x5c: {  	_ =	shalt  }
0x5d: {  	_ =	shalt  }
0x5e: {  	_ =	shalt  }
0x5f: {  	_ =	shalt  }
0x60: {  	_ =	shalt  }
0x61: {  	_ =	shalt  }
0x62: {  	_ =	shalt  }
0x63: {  	_ =	shalt  }
0x64: {  	_ =	shalt  }
0x65: {  	_ =	shalt  }
0x66: {  	_ =	shalt  }
0x67: {  	_ =	shalt  }
0x68: {  	_ =	shalt  }
0x69: {  	_ =	shalt  }
0x6a: {  	_ =	shalt  }
0x6b: {  	_ =	shalt  }
0x6c: {  	_ =	shalt  }
0x6d: {  	_ =	shalt  }
0x6e: {  	_ =	shalt  }
0x6f: {  	_ =	shalt  }
0x70: {  	_ =	shalt  }
0x71: {  	_ =	shalt  }
0x72: {  	_ =	shalt  }
0x73: {  	_ =	shalt  }
0x74: {  	_ =	shalt  }
0x75: {  	_ =	shalt  }
0x76: {  	_ =	shalt  }
0x77: {  	_ =	shalt  }
0x78: {  	_ =	shalt  }
0x79: {  	_ =	shalt  }
0x7a: {  	_ =	shalt  }
0x7b: {  	_ =	shalt  }
0x7c: {  	_ =	shalt  }
0x7d: {  	_ =	shalt  }
0x7e: {  	_ =	shalt  }
0x7f: {  	_ =	shalt  }
0x80: {  	_ =	shalt  }
0x81: {  	_ =	shalt  }
0x82: {  	_ =	shalt  }
0x83: {  	_ =	shalt  }
0x84: {  	_ =	shalt  }
0x85: {  	_ =	shalt  }
0x86: {  	_ =	shalt  }
0x87: {  	_ =	shalt  }
.Lfunc_end0:
.L_simem_size_0:
called_computation.2_lowered:
.L_overlay_start_0:
0x88: {  	s2 =	sld [smem:$0x3FD9]  }
0x89: {  	s3 =	sld [smem:$0x3FFE];
	_ =	sdelay $0x1  }
0x8a: {  	s1 =	srdreg.scid  }
0x8b: {  	s0 =	sand.u32 $0x1, s1  }
0x8c: {  	s16 =	sshll.u32 s0, $0xA;
	s2 =	sadd.s32 s3, s2  }
0x8d: {  	s2 =	sadd.s32 s2, s16  }
0x8e: {  	[smem:$0x3FBD] =	sst s2  }
0x8f: {  	_ = 	snop  }
0x90: {  	(tm) =	ssettm $0x1  }
0x91: {  	s17 =	sld [smem:$0x3FFB];
	_ =	sdelay $0x3  }
0x92: {  	_ =	strace s17  }
0x93: {  	s2 =	sld [smem:$0x3FFC];
	_ =	sdelay $0x3  }
0x94: {  	_ =	strace s2  }
0x95: {  	s2 =	sld [smem:$0x3FFD];
	_ =	sdelay $0x3  }
0x96: {  	_ =	strace s2  }
0x97: {  	_ =	strace $0x8FFFFFFF  }
0x98: {  	s18 =	sld [smem:$0x3FDB];
	_ =	sdelay $0x1  }
0x99: {  	s19 =	simm.s32 $_scs_section_size  }
0x9a: {  	s4 =	simm.s32 $_size__tile_overlayer_lowered;
	s5 =	simm.s32 $_tile_overlayer_lowered  }
0x9b: {  	s22 =	simm.s32 $0x1BFF;
	s21 =	sshll.u32 s5, $0x1;
	s2 =	sadd.s32 s19, s18  }
0x9c: {  	s6 =	simm.s32 $0x0;
	s20 =	sshll.u32 s4, $0x1;
	s4 =	sadd.s32 s21, s2  }
0x9d: {  	[timem:s6], [sflag:s22] =	dma.local [hbm:s4], s20  }
0x9e: {  	_ =	swait.ge [sflag:s22], s20  }
0x9f: {  	s3 =	ssub.s32 $0x0, s20;
	[sflag:s22] =	ssyncset.done $0x0  }
0xa0: {  	[sflag:s22] =	ssyncadd.s32 s3;
	_ =	sdelay $0x1  }
0xa1: {  	s23 =	simm.s32 $0x1B8B  }
0xa2: {  	_ =	swait.ge [sflag:s23], $0x1  }
0xa3: {  	[sflag:s23] =	ssyncset.done $0x0  }
0xa4: {  	s25 =	simm.s32 $0x1B8E;
	s24 =	sld [smem:$0x3FFE];
	[sflag:s23] =	ssyncadd.s32 $0xFFFFFFFF  }
0xa5: {  	s26 =	simm.s32 $execute0_lowered;
	[smem:$0x3FD2] =	sst s25  }
0xa6: {  	s4 =	sshll.u32 s26, $0x1;
	_ =	strace $0x8000004C;
	[dreg:$0x1] =	wrdreg $0xFFFFFFFF  }
0xa7: {  	s28 =	simm.s32 $_size_execute0_lowered;
	s2 =	sadd.s32 s2, s4;
	[dreg:$0x0] =	wrdreg $0x0  }
0xa8: {  	s4 =	sshll.u32 s28, $0x1;
	[dreg:$0x2] =	wrdreg s2  }
0xa9: {  	[dreg:$0x3] =	wrdreg s4  }
0xaa: {  	[dreg:$0x4] =	wrdreg $0xC0  }
0xab: {  	_ =	task [dreg:s6], $0x5FFFF  }
0xac: {  	[dreg:$0x1] =	wrdreg $0xFFFFFFFF  }
0xad: {  	[dreg:$0x0] =	wrdreg $0x60  }
0xae: {  	[dreg:$0x2] =	wrdreg s24  }
0xaf: {  	[dreg:$0x3] =	wrdreg $0x28800  }
0xb0: {  	[dreg:$0x4] =	wrdreg $0x9  }
0xb1: {  	_ =	task.clear_ibuf [dreg:s6], $0x5FFFF;
	_ =	strace $0x9000004C  }
0xb2: {  	s29 =	simm.s32 $0x9;
	_ =	strace $0x8000004E  }
0xb3: {  	_ =	swait.ge [sflag:s29], $0x1  }
0xb4: {  	[sflag:s29] =	ssyncadd.s32 $0xFFFFFFFF  }
0xb5: {  	_ =	strace $0x9000004E  }
0xb6: {  	_ =	sfence  }
0xb7: {  	s30 =	sld [smem:$0x0];
	_ =	sdelay $0x2  }
0xb8: {  	s31 =	sshll.u32 s1, $0xD;
	s1 =	sshrl.u32 s1, $0x2  }
0xb9: {  	s3 =	sand.u32 $0x4000, s31;
	s1 =	sadd.s32 s1, s30  }
0xba: {  	s0 =	sor.u32 s3, s0;
	s1 =	sshll.u32 s1, $0x11  }
0xbb: {  	s0 =	sor.u32 s1, s0  }
0xbc: {  	s0 =	sadd.s32 $0x8F2B, s0  }
0xbd: {  	[sflag:s0] =	ssyncadd.remote.s32 $0x1  }
0xbe: {  	_ =	sfence.sel $0xFFFF  }
0xbf: {  	[dreg:$0x0] =	wrdreg $0xFFFFFFFF;
	(pc) =	sbr.abs _section_cstart, $3  }
0xc0: {  	[dreg:$0x1] =	wrdreg $0xFFFFFFFF  }
0xc1: {  	_ =	task.clear_ibuf [dreg:s6], $0x2FFFF;
	_ =	strace $0x9FFFFFFF  }
0xc2: {  	(tm) =	ssettm $0x7FFFFFFF  }
0xc3: {  	_ =	shalt  }
tec
execute0_lowered:
.L_overlay_start_1:
0x0: {  	(tag) =	ssettag $0x1  }
0x1: {  	s0 =	stileid.u32  }
0x2: {  	s1 =	srdreg.scid;
	s5 =	smul.u32 $0x4E20, s0  }
0x3: {  	s6 =	rddreg [dreg:$0x0];
	s8 =	smul.u32 $0x4E200, s0  }
0x4: {  	s2 =	rddreg [dreg:$0x1];
	s9 =	smul.u32 $0x14000, s0  }
0x5: {  	s3 =	simm.s32 $0x0;
	s4 =	sand.u32 $0x1, s1;
	s29 =	smul.u32 $0x50000, s0  }
0x6: {  	s14 =	simm.s32 $0x0;
	s1 =	rddreg [dreg:$0x2];
	s7 =	smul.u32 $0x2710, s4  }
0x7: {  	[smem:$0x7FF] =	sst s3;
	s31 =	sshll.u32 s0, $0x6;
	s25 =	smul.u32 $0x140000, s4  }
0x8: {  	_ =	strace $0x8000004D;
	s30 =	ssub.s32 $0x2, s4;
	s12 =	smul.u32 $0x27100, s4  }
0x9: {  	s8 =	sadd.s32 s8, s6;
	s28 =	sshrl.u32 s9, $0x3;
	s11 =	sshrl.u32 s30, $0x1  }
0xa: {  	s5 =	sadd.s32 s7, s5;
	s26 =	sadd.s32 s9, s25;
	s7 =	sadd.s32 s28, s6  }
0xb: {  	s9 =	sshrl.u32 s29, $0x2;
	s11 =	ssub.s32 s30, s11;
	s8 =	sadd.s32 s12, s8  }
0xc: {  	s12 =	simm.s32 $0x80;
	s5 =	sshrl.u32 s5, $0x3;
	s13 =	sadd.s32 s9, s2  }
0xd: {  	s4 =	sadd.s32 $0x1400, s7;
	s7 =	smax.u32 s11, $0x1;
	s8 =	sadd.s32 $0xA29200, s8  }
0xe: {  	s11 =	simm.s32 $0x1;
	s10 =	sadd.s32 s5, s6;
	s5 =	sshrl.u32 s26, $0x3  }
0xf: {  	s6 =	sadd.s32 s5, s6;
	s5 =	sor.u32 $0x1C01, s31;
	s9 =	sadd.s32 $0x33400, s10  }
0x10: {  	s10 =	sshrl.u32 s13, $0x3;
	s13 =	simm.s32 $0x50;
	s6 =	sadd.s32 $0x3D200, s6  }
.LBB2_1:
0x11: {  	[spmem:s10], [sflag:s5] =	dma.local [hbm:s4], $0x2800  }
0x12: {  	_ =	swait.ge [sflag:s11], $0x2800  }
0x13: {  	[sflag:s11] =	ssyncset.done $0x0  }
0x14: {  	[sflag:s11] =	ssyncadd.s32 $0xFFFFD800  }
0x15: {  	s15 =	sadd.s32 $0x0, s9;
	[bflag:$0x0] =	sbarrier.arrive $0xFFFF  }
0x16: {  	[tilespmem:s3], [sflag:$0x1] =	stream.linear.gather [hbm4b:s15+s3], $0x50, $0x38;
	[tilespmem:$0x16880] =	vst v63  }
0x17: {  	_ =	swait.ge [sflag:s11], $0x50  }
0x18: {  	[sflag:s11] =	ssyncset.done $0x0  }
0x19: {  	[sflag:s11] =	ssyncadd.s32 $0xFFFFFFB0  }
0x1a: {  	[tilespmem:s12], [sflag:$0x1] =	stream.linear.gather [hbm4b:s8+s3], $0x2800, $0x38;
	[tilespmem:$0x16880] =	vst v63  }
0x1b: {  	_ =	swait.ge [sflag:s11], $0x2800  }
0x1c: {  	[sflag:s11] =	ssyncset.done $0x0  }
0x1d: {  	[sflag:s11] =	ssyncadd.s32 $0xFFFFD800  }
0x1e: {  	[spmem:s2] =	stream.indirect.scatter.add.f32 [tilespmem:s12], [sflag:$0x1], $0x80, s3, s13, $0xb8;
	[tilespmem:$0x16880] =	vst v63  }
0x1f: {  	s16 =	simm.s32 $0xA;
	_ =	swait.ge [sflag:s11], $0x2800  }
0x20: {  	s17 =	simm.s32 $0x14;
	s15 =	sadd.s32 $0x500, s8;
	[sflag:s11] =	ssyncset.done $0x0  }
.LBB2_2:
0x21: {  	s18 =	sadd.s32 s16, s9  }
0x22: {  	[sflag:s11] =	ssyncadd.s32 $0xFFFFD800;
	s16 =	smov.u32 s17;
	s19 =	sadd.s32 $0xA, s17  }
0x23: {  	[tilespmem:s3], [sflag:$0x1] =	stream.linear.gather [hbm4b:s18+s3], $0x50, $0x38;
	[tilespmem:$0x16880] =	vst v63  }
0x24: {  	p0 =	sne.s32 s17, $0x4D8;
	_ =	swait.ge [sflag:s11], $0x50  }
0x25: {  	[sflag:s11] =	ssyncset.done $0x0  }
0x26: {  	[sflag:s11] =	ssyncadd.s32 $0xFFFFFFB0  }
0x27: {  	[tilespmem:s12], [sflag:$0x1] =	stream.linear.gather [hbm4b:s15+s3], $0x2800, $0x38;
	[tilespmem:$0x16880] =	vst v63  }
0x28: {  	_ =	swait.ge [sflag:s11], $0x2800  }
.Ltmp0:
0x29: {  	[sflag:s11] =	ssyncset.done $0x0;
	(pc) =	sbr.rel @p0 .LBB2_2-.Ltmp0, $4  }
0x2a: {  	[sflag:s11] =	ssyncadd.s32 $0xFFFFD800  }
0x2b: {  	[spmem:s2] =	stream.indirect.scatter.add.f32 [tilespmem:s12], [sflag:$0x1], $0x80, s3, s13, $0xb8;
	[tilespmem:$0x16880] =	vst v63  }
0x2c: {  	_ =	swait.ge [sflag:s11], $0x2800  }
0x2d: {  	s17 =	smov.u32 s19;
	s15 =	sadd.s32 $0x500, s15;
	[sflag:s11] =	ssyncset.done $0x0  }
0x2e: {  	s16 =	sadd.s32 s16, s9;
	[sflag:s11] =	ssyncadd.s32 $0xFFFFD800  }
0x2f: {  	[tilespmem:s3], [sflag:$0x1] =	stream.linear.gather [hbm4b:s16+s3], $0x50, $0x38;
	[tilespmem:$0x16880] =	vst v63  }
0x30: {  	_ =	swait.ge [sflag:s11], $0x50  }
0x31: {  	[sflag:s11] =	ssyncset.done $0x0  }
0x32: {  	[sflag:s11] =	ssyncadd.s32 $0xFFFFFFB0  }
0x33: {  	[tilespmem:s12], [sflag:$0x1] =	stream.linear.gather [hbm4b:s15+s3], $0x2800, $0x38;
	[tilespmem:$0x16880] =	vst v63  }
0x34: {  	_ =	swait.ge [sflag:s11], $0x2800  }
0x35: {  	[sflag:s11] =	ssyncset.done $0x0  }
0x36: {  	[sflag:s11] =	ssyncadd.s32 $0xFFFFD800  }
0x37: {  	[spmem:s2] =	stream.indirect.scatter.add.f32 [tilespmem:s12], [sflag:$0x1], $0x80, s3, s13, $0xb8;
	[tilespmem:$0x16880] =	vst v63  }
0x38: {  	_ =	swait.ge [sflag:s11], $0x2800  }
0x39: {  	s14 =	sadd.s32 $0x1, s14;
	[sflag:s11] =	ssyncset.done $0x0  }
0x3a: {  	p0 =	sne.s32 s14, s7;
	[sflag:s11] =	ssyncadd.s32 $0xFFFFD800  }
.Ltmp1:
0x3b: {  	[bflag:$0x0] =	sbarrier.arrive $0xFFFF;
	(pc) =	sbr.rel @p0 .LBB2_1-.Ltmp1, $4  }
0x3c: {  	[hbm:s6], [sflag:s5] =	dma.local [spmem:s10], $0x2800  }
0x3d: {  	_ =	swait.ge [sflag:s11], $0x2800  }
0x3e: {  	[sflag:s11] =	ssyncset.done $0x0  }
0x3f: {  	[sflag:s11] =	ssyncadd.s32 $0xFFFFD800  }
0x40: {  	_ =	sfence.sel $0x180000  }
0x41: {  	[bflag:$0x0] =	sbarrier.arrive $0xFFFF  }
0x42: {  	p0 =	sne.s32 s0, $0x0;
	_ =	strace $0x9000004D  }
0x43: {  	s0 =	sadd.s32 @!p0 $0x100000, s1;
	[bflag:$0x2] =	sbarrier.arrive $0xFFFF  }
0x44: {  	[sflag:s0] =	ssyncadd.tile.s32 @!p0 $0x1;
	_ =	shalt  }
.Lfunc_end2:
_tile_overlayer_lowered:
.L_overlay_start_2:
0x45: {  	(tag) =	ssettag $0x2  }
0x46: {  	s0 =	rddreg [dreg:$0x0];
	s2 =	stileid.u32  }
0x47: {  	s1 =	rddreg [dreg:$0x1];
	p0 =	sne.s32 s2, $0x0  }
0x48: {  	s3 =	rddreg [dreg:$0x2];
	[bflag:$0x3] =	sbarrier.arrive $0xFFFF;
	s2 =	simm.s32 @!p0 $0x1C01  }
0x49: {  	[timem:s3], [sflag:s2] =	dma.local @!p0 [hbm:s0], s1  }
0x4a: {  	s0 =	simm.s32 @!p0 $0x1  }
0x4b: {  	_ =	swait.ge @!p0 [sflag:s0], s1  }
0x4c: {  	s1 =	ssub.s32 @!p0 $0x0, s1;
	[sflag:s0] =	ssyncset.done @!p0 $0x0  }
0x4d: {  	[sflag:s0] =	ssyncadd.s32 @!p0 s1  }
0x4e: {  	[bflag:$0x3] =	sbarrier.arrive $0xFFFF  }
0x4f: {  	_ =	shalt  }

// kernel: gat_edge_scatter_l2.3.cloned.1.call-start
scs
__scs_entry_jumppad:
0x0: {  	(pc) =	sbr.rel $0x88, $3  }
0x1: {  	(tag) =	ssettag $0x0;
	lr =	simm.s32 $0x1  }
0x2: {  	[smem:$0x3F96] =	sst lr;
	_ =	strace $0xD0000000  }
0x3: {  	_ = 	snop  }
0x4: {  	_ = 	snop  }
0x5: {  	_ = 	snop  }
0x6: {  	_ = 	snop  }
0x7: {  	_ = 	snop  }
__scs_overlays_trampoline_lowered:
0x8: {  	[smem:$0x3FA5] =	sst s0  }
0x9: {  	[smem:$0x3FA6] =	sst s1  }
0xa: {  	[smem:$0x3FA7] =	sst s2  }
0xb: {  	[smem:$0x3FA8] =	sst s3  }
0xc: {  	[smem:$0x3FA9] =	sst s4  }
0xd: {  	[smem:$0x3FAA] =	sst s5  }
0xe: {  	[smem:$0x3FAB] =	sst s6  }
0xf: {  	[smem:$0x3FAC] =	sst s7  }
0x10: {  	[smem:$0x3FAD] =	sst s8  }
0x11: {  	[smem:$0x3FAE] =	sst s9;
	s0 =	simm.s32 @!p0 $0x0  }
0x12: {  	s1 =	sld [smem:$0x3F94];
	s0 =	simm.s32 @p0 $0x1  }
0x13: {  	[smem:$0x3FAF] =	sst s0;
	s0 =	simm.s32 @!p1 $0x0  }
0x14: {  	s2 =	sld [smem:$0x3F93];
	s0 =	simm.s32 @p1 $0x1  }
0x15: {  	[smem:$0x3FB0] =	sst s0;
	s0 =	simm.s32 @!p2 $0x0  }
0x16: {  	s3 =	sld [smem:$0x3FDB];
	s0 =	simm.s32 @p2 $0x1  }
0x17: {  	s4 =	simm.s32 $0x1BF5;
	[smem:$0x3FB2] =	sst s0  }
0x18: {  	s0 =	sld [smem:$0x3F95];
	_ =	swait.ge [sflag:s4], $0x0  }
0x19: {  	s7 =	sld [smem:$0x3F96]  }
0x1a: {  	s8 =	sadd.s32 $0xFFFFE003, lr  }
0x1b: {  	s9 =	sadd.s32 $0xFFFFFEF7, lr;
	s5 =	simm.s32 $0xFFFFFFFF;
	p2 =	slt.u32 s8, $0xFFFFF086  }
0x1c: {  	p1 =	slt.u32 s9, $0xF7A;
	s5 =	simm.s32 @!p2 $0x0  }
0x1d: {  	s5 =	simm.s32 @p1 $0x1;
	p0 =	seq.s32 s7, s2  }
0x1e: {  	s7 =	smul.u32 @!p0 $0xF7A, s2;
	p2 =	seq.s32 @!p0 s5, $0x0  }
0x1f: {  	s9 =	smul.u32 $0xF7A, s1;
	s8 =	simm.s32 @!p0 $0x1BF5;
	p2 =	por !p2, p0  }
0x20: {  	[sflag:s8] =	ssyncset.s32 @!p0 $0xFFFFF086;
	s6 =	sadd.s32 @!p0 s3, s7;
	s7 =	simm.s32 @!p0 $0x108  }
0x21: {  	s3 =	sadd.s32 s3, s9;
	s6 =	sadd.s32 @!p0 $0x88, s6;
	s7 =	simm.s32 @p2 $0x1082  }
0x22: {  	[simem:s7], [sflag:s8] =	dma.local @!p0 [hbm:s6], $0xF7A  }
0x23: {  	s9 =	sor.u32 $0xD0000000, s2;
	s6 =	simm.s32 $0x108;
	_ =	swait.ge @!p0 [sflag:s8], $0x0  }
0x24: {  	s3 =	sadd.s32 $0x88, s3;
	s6 =	simm.s32 @!p1 $0x1082;
	[sflag:s4] =	ssyncset.s32 $0xFFFFF086  }
0x25: {  	[simem:s6], [sflag:s4] =	dma.local [hbm:s3], $0xF7A  }
0x26: {  	[smem:$0x3F96] =	sst s1;
	(tag) =	ssettag s2;
	_ =	strace s9  }
0x27: {  	s1 =	sld [smem:$0x3FA6]  }
0x28: {  	s2 =	sld [smem:$0x3FA7]  }
0x29: {  	s4 =	sld [smem:$0x3FA9]  }
0x2a: {  	p0 =	seq.s32 s5, $0x0;
	s5 =	sld [smem:$0x3FAA]  }
0x2b: {  	s6 =	sld [smem:$0x3FAB]  }
0x2c: {  	s7 =	sld [smem:$0x3FAC]  }
0x2d: {  	s3 =	simm.s32 $0x108;
	s8 =	sld [smem:$0x3FAD]  }
0x2e: {  	s3 =	simm.s32 @!p0 $0x1082;
	s9 =	sld [smem:$0x3FAE]  }
0x2f: {  	lr =	sadd.s32 s0, s3;
	s0 =	sld [smem:$0x3FA5]  }
0x30: {  	s3 =	sld [smem:$0x3FA8]  }
0x31: {  	[smem:$0x3FB1] =	sst s10  }
0x32: {  	s10 =	sld [smem:$0x3FAF];
	_ =	sdelay $0x3  }
0x33: {  	p0 =	seq.s32 s10, $0x1;
	s10 =	sld [smem:$0x3FB1];
	_ =	sdelay $0x3  }
0x34: {  	[smem:$0x3FB1] =	sst s10  }
0x35: {  	s10 =	sld [smem:$0x3FB0];
	_ =	sdelay $0x3  }
0x36: {  	p1 =	seq.s32 s10, $0x1;
	s10 =	sld [smem:$0x3FB1];
	_ =	sdelay $0x3  }
0x37: {  	[smem:$0x3FB1] =	sst s10  }
0x38: {  	s10 =	sld [smem:$0x3FB2]  }
0x39: {  	_ = 	snop;
	(pc) =	sbr.ind lr, $3  }
0x3a: {  	_ = 	snop  }
0x3b: {  	_ = 	snop  }
0x3c: {  	p2 =	seq.s32 s10, $0x1;
	s10 =	sld [smem:$0x3FB1]  }
0x3d: {  	_ =	shalt  }
0x3e: {  	_ =	shalt  }
0x3f: {  	_ =	shalt  }
0x40: {  	_ =	shalt  }
0x41: {  	_ =	shalt  }
0x42: {  	_ =	shalt  }
0x43: {  	_ =	shalt  }
0x44: {  	_ =	shalt  }
0x45: {  	_ =	shalt  }
0x46: {  	_ =	shalt  }
0x47: {  	_ =	shalt  }
0x48: {  	_ =	shalt  }
0x49: {  	_ =	shalt  }
0x4a: {  	_ =	shalt  }
0x4b: {  	_ =	shalt  }
0x4c: {  	_ =	shalt  }
0x4d: {  	_ =	shalt  }
0x4e: {  	_ =	shalt  }
0x4f: {  	_ =	shalt  }
0x50: {  	_ =	shalt  }
0x51: {  	_ =	shalt  }
0x52: {  	_ =	shalt  }
0x53: {  	_ =	shalt  }
0x54: {  	_ =	shalt  }
0x55: {  	_ =	shalt  }
0x56: {  	_ =	shalt  }
0x57: {  	_ =	shalt  }
0x58: {  	_ =	shalt  }
0x59: {  	_ =	shalt  }
0x5a: {  	_ =	shalt  }
0x5b: {  	_ =	shalt  }
0x5c: {  	_ =	shalt  }
0x5d: {  	_ =	shalt  }
0x5e: {  	_ =	shalt  }
0x5f: {  	_ =	shalt  }
0x60: {  	_ =	shalt  }
0x61: {  	_ =	shalt  }
0x62: {  	_ =	shalt  }
0x63: {  	_ =	shalt  }
0x64: {  	_ =	shalt  }
0x65: {  	_ =	shalt  }
0x66: {  	_ =	shalt  }
0x67: {  	_ =	shalt  }
0x68: {  	_ =	shalt  }
0x69: {  	_ =	shalt  }
0x6a: {  	_ =	shalt  }
0x6b: {  	_ =	shalt  }
0x6c: {  	_ =	shalt  }
0x6d: {  	_ =	shalt  }
0x6e: {  	_ =	shalt  }
0x6f: {  	_ =	shalt  }
0x70: {  	_ =	shalt  }
0x71: {  	_ =	shalt  }
0x72: {  	_ =	shalt  }
0x73: {  	_ =	shalt  }
0x74: {  	_ =	shalt  }
0x75: {  	_ =	shalt  }
0x76: {  	_ =	shalt  }
0x77: {  	_ =	shalt  }
0x78: {  	_ =	shalt  }
0x79: {  	_ =	shalt  }
0x7a: {  	_ =	shalt  }
0x7b: {  	_ =	shalt  }
0x7c: {  	_ =	shalt  }
0x7d: {  	_ =	shalt  }
0x7e: {  	_ =	shalt  }
0x7f: {  	_ =	shalt  }
0x80: {  	_ =	shalt  }
0x81: {  	_ =	shalt  }
0x82: {  	_ =	shalt  }
0x83: {  	_ =	shalt  }
0x84: {  	_ =	shalt  }
0x85: {  	_ =	shalt  }
0x86: {  	_ =	shalt  }
0x87: {  	_ =	shalt  }
.Lfunc_end0:
.L_simem_size_0:
called_computation.4_lowered:
.L_overlay_start_0:
0x88: {  	s2 =	sld [smem:$0x3FD9]  }
0x89: {  	s3 =	sld [smem:$0x3FFE];
	_ =	sdelay $0x1  }
0x8a: {  	s1 =	srdreg.scid  }
0x8b: {  	s0 =	sand.u32 $0x1, s1  }
0x8c: {  	s16 =	sshll.u32 s0, $0xA;
	s2 =	sadd.s32 s3, s2  }
0x8d: {  	s2 =	sadd.s32 s2, s16  }
0x8e: {  	[smem:$0x3FBD] =	sst s2  }
0x8f: {  	_ = 	snop  }
0x90: {  	(tm) =	ssettm $0x1  }
0x91: {  	s17 =	sld [smem:$0x3FFB];
	_ =	sdelay $0x3  }
0x92: {  	_ =	strace s17  }
0x93: {  	s2 =	sld [smem:$0x3FFC];
	_ =	sdelay $0x3  }
0x94: {  	_ =	strace s2  }
0x95: {  	s2 =	sld [smem:$0x3FFD];
	_ =	sdelay $0x3  }
0x96: {  	_ =	strace s2  }
0x97: {  	_ =	strace $0x8FFFFFFF  }
0x98: {  	s18 =	sld [smem:$0x3FDB];
	_ =	sdelay $0x1  }
0x99: {  	s19 =	simm.s32 $_scs_section_size  }
0x9a: {  	s4 =	simm.s32 $_size__tile_overlayer_lowered;
	s5 =	simm.s32 $_tile_overlayer_lowered  }
0x9b: {  	s22 =	simm.s32 $0x1BFF;
	s21 =	sshll.u32 s5, $0x1;
	s2 =	sadd.s32 s19, s18  }
0x9c: {  	s6 =	simm.s32 $0x0;
	s20 =	sshll.u32 s4, $0x1;
	s4 =	sadd.s32 s21, s2  }
0x9d: {  	[timem:s6], [sflag:s22] =	dma.local [hbm:s4], s20  }
0x9e: {  	_ =	swait.ge [sflag:s22], s20  }
0x9f: {  	s3 =	ssub.s32 $0x0, s20;
	[sflag:s22] =	ssyncset.done $0x0  }
0xa0: {  	[sflag:s22] =	ssyncadd.s32 s3;
	_ =	sdelay $0x1  }
0xa1: {  	s23 =	simm.s32 $0x1B8B  }
0xa2: {  	_ =	swait.ge [sflag:s23], $0x1  }
0xa3: {  	[sflag:s23] =	ssyncset.done $0x0  }
0xa4: {  	s25 =	simm.s32 $0x1B8E;
	s24 =	sld [smem:$0x3FFE];
	[sflag:s23] =	ssyncadd.s32 $0xFFFFFFFF  }
0xa5: {  	s26 =	simm.s32 $execute0_lowered;
	[smem:$0x3FD2] =	sst s25  }
0xa6: {  	s4 =	sshll.u32 s26, $0x1;
	_ =	strace $0x80000052;
	[dreg:$0x1] =	wrdreg $0xFFFFFFFF  }
0xa7: {  	s28 =	simm.s32 $_size_execute0_lowered;
	s2 =	sadd.s32 s2, s4;
	[dreg:$0x0] =	wrdreg $0x0  }
0xa8: {  	s4 =	sshll.u32 s28, $0x1;
	[dreg:$0x2] =	wrdreg s2  }
0xa9: {  	[dreg:$0x3] =	wrdreg s4  }
0xaa: {  	[dreg:$0x4] =	wrdreg $0xC0  }
0xab: {  	_ =	task [dreg:s6], $0x5FFFF  }
0xac: {  	[dreg:$0x1] =	wrdreg $0xFFFFFFFF  }
0xad: {  	[dreg:$0x0] =	wrdreg $0x60  }
0xae: {  	[dreg:$0x2] =	wrdreg s24  }
0xaf: {  	[dreg:$0x3] =	wrdreg $0x28800  }
0xb0: {  	[dreg:$0x4] =	wrdreg $0x9  }
0xb1: {  	_ =	task.clear_ibuf [dreg:s6], $0x5FFFF;
	_ =	strace $0x90000052  }
0xb2: {  	s29 =	simm.s32 $0x9;
	_ =	strace $0x80000054  }
0xb3: {  	_ =	swait.ge [sflag:s29], $0x1  }
0xb4: {  	[sflag:s29] =	ssyncadd.s32 $0xFFFFFFFF  }
0xb5: {  	_ =	strace $0x90000054  }
0xb6: {  	_ =	sfence  }
0xb7: {  	s30 =	sld [smem:$0x0];
	_ =	sdelay $0x2  }
0xb8: {  	s31 =	sshll.u32 s1, $0xD;
	s1 =	sshrl.u32 s1, $0x2  }
0xb9: {  	s3 =	sand.u32 $0x4000, s31;
	s1 =	sadd.s32 s1, s30  }
0xba: {  	s0 =	sor.u32 s3, s0;
	s1 =	sshll.u32 s1, $0x11  }
0xbb: {  	s0 =	sor.u32 s1, s0  }
0xbc: {  	s0 =	sadd.s32 $0x8F2B, s0  }
0xbd: {  	[sflag:s0] =	ssyncadd.remote.s32 $0x1  }
0xbe: {  	_ =	sfence.sel $0xFFFF  }
0xbf: {  	[dreg:$0x0] =	wrdreg $0xFFFFFFFF;
	(pc) =	sbr.abs _section_cstart, $3  }
0xc0: {  	[dreg:$0x1] =	wrdreg $0xFFFFFFFF  }
0xc1: {  	_ =	task.clear_ibuf [dreg:s6], $0x2FFFF;
	_ =	strace $0x9FFFFFFF  }
0xc2: {  	(tm) =	ssettm $0x7FFFFFFF  }
0xc3: {  	_ =	shalt  }
tec
execute0_lowered:
.L_overlay_start_1:
0x0: {  	(tag) =	ssettag $0x1  }
0x1: {  	s0 =	stileid.u32  }
0x2: {  	s1 =	srdreg.scid;
	s5 =	smul.u32 $0x4E20, s0  }
0x3: {  	s6 =	rddreg [dreg:$0x0];
	s8 =	smul.u32 $0x4E200, s0  }
0x4: {  	s2 =	rddreg [dreg:$0x1];
	s9 =	smul.u32 $0x14000, s0  }
0x5: {  	s3 =	simm.s32 $0x0;
	s4 =	sand.u32 $0x1, s1;
	s29 =	smul.u32 $0x50000, s0  }
0x6: {  	s14 =	simm.s32 $0x0;
	s1 =	rddreg [dreg:$0x2];
	s7 =	smul.u32 $0x2710, s4  }
0x7: {  	[smem:$0x7FF] =	sst s3;
	s31 =	sshll.u32 s0, $0x6;
	s25 =	smul.u32 $0x140000, s4  }
0x8: {  	_ =	strace $0x80000053;
	s30 =	ssub.s32 $0x2, s4;
	s12 =	smul.u32 $0x27100, s4  }
0x9: {  	s8 =	sadd.s32 s8, s6;
	s28 =	sshrl.u32 s9, $0x3;
	s11 =	sshrl.u32 s30, $0x1  }
0xa: {  	s5 =	sadd.s32 s7, s5;
	s26 =	sadd.s32 s9, s25;
	s7 =	sadd.s32 s28, s6  }
0xb: {  	s9 =	sshrl.u32 s29, $0x2;
	s11 =	ssub.s32 s30, s11;
	s8 =	sadd.s32 s12, s8  }
0xc: {  	s12 =	simm.s32 $0x80;
	s5 =	sshrl.u32 s5, $0x3;
	s13 =	sadd.s32 s9, s2  }
0xd: {  	s4 =	sadd.s32 $0x1400, s7;
	s7 =	smax.u32 s11, $0x1;
	s8 =	sadd.s32 $0xA51200, s8  }
0xe: {  	s11 =	simm.s32 $0x1;
	s10 =	sadd.s32 s5, s6;
	s5 =	sshrl.u32 s26, $0x3  }
0xf: {  	s6 =	sadd.s32 s5, s6;
	s5 =	sor.u32 $0x1C01, s31;
	s9 =	sadd.s32 $0x33400, s10  }
0x10: {  	s10 =	sshrl.u32 s13, $0x3;
	s13 =	simm.s32 $0x50;
	s6 =	sadd.s32 $0x3D200, s6  }
.LBB2_1:
0x11: {  	[spmem:s10], [sflag:s5] =	dma.local [hbm:s4], $0x2800  }
0x12: {  	_ =	swait.ge [sflag:s11], $0x2800  }
0x13: {  	[sflag:s11] =	ssyncset.done $0x0  }
0x14: {  	[sflag:s11] =	ssyncadd.s32 $0xFFFFD800  }
0x15: {  	s15 =	sadd.s32 $0x0, s9;
	[bflag:$0x0] =	sbarrier.arrive $0xFFFF  }
0x16: {  	[tilespmem:s3], [sflag:$0x1] =	stream.linear.gather [hbm4b:s15+s3], $0x50, $0x38;
	[tilespmem:$0x16880] =	vst v63  }
0x17: {  	_ =	swait.ge [sflag:s11], $0x50  }
0x18: {  	[sflag:s11] =	ssyncset.done $0x0  }
0x19: {  	[sflag:s11] =	ssyncadd.s32 $0xFFFFFFB0  }
0x1a: {  	[tilespmem:s12], [sflag:$0x1] =	stream.linear.gather [hbm4b:s8+s3], $0x2800, $0x38;
	[tilespmem:$0x16880] =	vst v63  }
0x1b: {  	_ =	swait.ge [sflag:s11], $0x2800  }
0x1c: {  	[sflag:s11] =	ssyncset.done $0x0  }
0x1d: {  	[sflag:s11] =	ssyncadd.s32 $0xFFFFD800  }
0x1e: {  	[spmem:s2] =	stream.indirect.scatter.add.f32 [tilespmem:s12], [sflag:$0x1], $0x80, s3, s13, $0xb8;
	[tilespmem:$0x16880] =	vst v63  }
0x1f: {  	s16 =	simm.s32 $0xA;
	_ =	swait.ge [sflag:s11], $0x2800  }
0x20: {  	s17 =	simm.s32 $0x14;
	s15 =	sadd.s32 $0x500, s8;
	[sflag:s11] =	ssyncset.done $0x0  }
.LBB2_2:
0x21: {  	s18 =	sadd.s32 s16, s9  }
0x22: {  	[sflag:s11] =	ssyncadd.s32 $0xFFFFD800;
	s16 =	smov.u32 s17;
	s19 =	sadd.s32 $0xA, s17  }
0x23: {  	[tilespmem:s3], [sflag:$0x1] =	stream.linear.gather [hbm4b:s18+s3], $0x50, $0x38;
	[tilespmem:$0x16880] =	vst v63  }
0x24: {  	p0 =	sne.s32 s17, $0x4D8;
	_ =	swait.ge [sflag:s11], $0x50  }
0x25: {  	[sflag:s11] =	ssyncset.done $0x0  }
0x26: {  	[sflag:s11] =	ssyncadd.s32 $0xFFFFFFB0  }
0x27: {  	[tilespmem:s12], [sflag:$0x1] =	stream.linear.gather [hbm4b:s15+s3], $0x2800, $0x38;
	[tilespmem:$0x16880] =	vst v63  }
0x28: {  	_ =	swait.ge [sflag:s11], $0x2800  }
.Ltmp0:
0x29: {  	[sflag:s11] =	ssyncset.done $0x0;
	(pc) =	sbr.rel @p0 .LBB2_2-.Ltmp0, $4  }
0x2a: {  	[sflag:s11] =	ssyncadd.s32 $0xFFFFD800  }
0x2b: {  	[spmem:s2] =	stream.indirect.scatter.add.f32 [tilespmem:s12], [sflag:$0x1], $0x80, s3, s13, $0xb8;
	[tilespmem:$0x16880] =	vst v63  }
0x2c: {  	_ =	swait.ge [sflag:s11], $0x2800  }
0x2d: {  	s17 =	smov.u32 s19;
	s15 =	sadd.s32 $0x500, s15;
	[sflag:s11] =	ssyncset.done $0x0  }
0x2e: {  	s16 =	sadd.s32 s16, s9;
	[sflag:s11] =	ssyncadd.s32 $0xFFFFD800  }
0x2f: {  	[tilespmem:s3], [sflag:$0x1] =	stream.linear.gather [hbm4b:s16+s3], $0x50, $0x38;
	[tilespmem:$0x16880] =	vst v63  }
0x30: {  	_ =	swait.ge [sflag:s11], $0x50  }
0x31: {  	[sflag:s11] =	ssyncset.done $0x0  }
0x32: {  	[sflag:s11] =	ssyncadd.s32 $0xFFFFFFB0  }
0x33: {  	[tilespmem:s12], [sflag:$0x1] =	stream.linear.gather [hbm4b:s15+s3], $0x2800, $0x38;
	[tilespmem:$0x16880] =	vst v63  }
0x34: {  	_ =	swait.ge [sflag:s11], $0x2800  }
0x35: {  	[sflag:s11] =	ssyncset.done $0x0  }
0x36: {  	[sflag:s11] =	ssyncadd.s32 $0xFFFFD800  }
0x37: {  	[spmem:s2] =	stream.indirect.scatter.add.f32 [tilespmem:s12], [sflag:$0x1], $0x80, s3, s13, $0xb8;
	[tilespmem:$0x16880] =	vst v63  }
0x38: {  	_ =	swait.ge [sflag:s11], $0x2800  }
0x39: {  	s14 =	sadd.s32 $0x1, s14;
	[sflag:s11] =	ssyncset.done $0x0  }
0x3a: {  	p0 =	sne.s32 s14, s7;
	[sflag:s11] =	ssyncadd.s32 $0xFFFFD800  }
.Ltmp1:
0x3b: {  	[bflag:$0x0] =	sbarrier.arrive $0xFFFF;
	(pc) =	sbr.rel @p0 .LBB2_1-.Ltmp1, $4  }
0x3c: {  	[hbm:s6], [sflag:s5] =	dma.local [spmem:s10], $0x2800  }
0x3d: {  	_ =	swait.ge [sflag:s11], $0x2800  }
0x3e: {  	[sflag:s11] =	ssyncset.done $0x0  }
0x3f: {  	[sflag:s11] =	ssyncadd.s32 $0xFFFFD800  }
0x40: {  	_ =	sfence.sel $0x180000  }
0x41: {  	[bflag:$0x0] =	sbarrier.arrive $0xFFFF  }
0x42: {  	p0 =	sne.s32 s0, $0x0;
	_ =	strace $0x90000053  }
0x43: {  	s0 =	sadd.s32 @!p0 $0x100000, s1;
	[bflag:$0x2] =	sbarrier.arrive $0xFFFF  }
0x44: {  	[sflag:s0] =	ssyncadd.tile.s32 @!p0 $0x1;
	_ =	shalt  }
.Lfunc_end2:
_tile_overlayer_lowered:
.L_overlay_start_2:
0x45: {  	(tag) =	ssettag $0x2  }
0x46: {  	s0 =	rddreg [dreg:$0x0];
	s2 =	stileid.u32  }
0x47: {  	s1 =	rddreg [dreg:$0x1];
	p0 =	sne.s32 s2, $0x0  }
0x48: {  	s3 =	rddreg [dreg:$0x2];
	[bflag:$0x3] =	sbarrier.arrive $0xFFFF;
	s2 =	simm.s32 @!p0 $0x1C01  }
0x49: {  	[timem:s3], [sflag:s2] =	dma.local @!p0 [hbm:s0], s1  }
0x4a: {  	s0 =	simm.s32 @!p0 $0x1  }
0x4b: {  	_ =	swait.ge @!p0 [sflag:s0], s1  }
0x4c: {  	s1 =	ssub.s32 @!p0 $0x0, s1;
	[sflag:s0] =	ssyncset.done @!p0 $0x0  }
0x4d: {  	[sflag:s0] =	ssyncadd.s32 @!p0 s1  }
0x4e: {  	[bflag:$0x3] =	sbarrier.arrive $0xFFFF  }
0x4f: {  	_ =	shalt  }

// kernel: gat_emb_gather.3.cloned.1.call-start
scs
__scs_entry_jumppad:
0x0: {  	(pc) =	sbr.rel $0x88, $3  }
0x1: {  	(tag) =	ssettag $0x0;
	lr =	simm.s32 $0x1  }
0x2: {  	[smem:$0x3F96] =	sst lr;
	_ =	strace $0xD0000000  }
0x3: {  	_ = 	snop  }
0x4: {  	_ = 	snop  }
0x5: {  	_ = 	snop  }
0x6: {  	_ = 	snop  }
0x7: {  	_ = 	snop  }
__scs_overlays_trampoline_lowered:
0x8: {  	[smem:$0x3FA5] =	sst s0  }
0x9: {  	[smem:$0x3FA6] =	sst s1  }
0xa: {  	[smem:$0x3FA7] =	sst s2  }
0xb: {  	[smem:$0x3FA8] =	sst s3  }
0xc: {  	[smem:$0x3FA9] =	sst s4  }
0xd: {  	[smem:$0x3FAA] =	sst s5  }
0xe: {  	[smem:$0x3FAB] =	sst s6  }
0xf: {  	[smem:$0x3FAC] =	sst s7  }
0x10: {  	[smem:$0x3FAD] =	sst s8  }
0x11: {  	[smem:$0x3FAE] =	sst s9;
	s0 =	simm.s32 @!p0 $0x0  }
0x12: {  	s1 =	sld [smem:$0x3F94];
	s0 =	simm.s32 @p0 $0x1  }
0x13: {  	[smem:$0x3FAF] =	sst s0;
	s0 =	simm.s32 @!p1 $0x0  }
0x14: {  	s2 =	sld [smem:$0x3F93];
	s0 =	simm.s32 @p1 $0x1  }
0x15: {  	[smem:$0x3FB0] =	sst s0;
	s0 =	simm.s32 @!p2 $0x0  }
0x16: {  	s3 =	sld [smem:$0x3FDB];
	s0 =	simm.s32 @p2 $0x1  }
0x17: {  	s4 =	simm.s32 $0x1BF5;
	[smem:$0x3FB2] =	sst s0  }
0x18: {  	s0 =	sld [smem:$0x3F95];
	_ =	swait.ge [sflag:s4], $0x0  }
0x19: {  	s7 =	sld [smem:$0x3F96]  }
0x1a: {  	s8 =	sadd.s32 $0xFFFFE003, lr  }
0x1b: {  	s9 =	sadd.s32 $0xFFFFFEF7, lr;
	s5 =	simm.s32 $0xFFFFFFFF;
	p2 =	slt.u32 s8, $0xFFFFF086  }
0x1c: {  	p1 =	slt.u32 s9, $0xF7A;
	s5 =	simm.s32 @!p2 $0x0  }
0x1d: {  	s5 =	simm.s32 @p1 $0x1;
	p0 =	seq.s32 s7, s2  }
0x1e: {  	s7 =	smul.u32 @!p0 $0xF7A, s2;
	p2 =	seq.s32 @!p0 s5, $0x0  }
0x1f: {  	s9 =	smul.u32 $0xF7A, s1;
	s8 =	simm.s32 @!p0 $0x1BF5;
	p2 =	por !p2, p0  }
0x20: {  	[sflag:s8] =	ssyncset.s32 @!p0 $0xFFFFF086;
	s6 =	sadd.s32 @!p0 s3, s7;
	s7 =	simm.s32 @!p0 $0x108  }
0x21: {  	s3 =	sadd.s32 s3, s9;
	s6 =	sadd.s32 @!p0 $0x88, s6;
	s7 =	simm.s32 @p2 $0x1082  }
0x22: {  	[simem:s7], [sflag:s8] =	dma.local @!p0 [hbm:s6], $0xF7A  }
0x23: {  	s9 =	sor.u32 $0xD0000000, s2;
	s6 =	simm.s32 $0x108;
	_ =	swait.ge @!p0 [sflag:s8], $0x0  }
0x24: {  	s3 =	sadd.s32 $0x88, s3;
	s6 =	simm.s32 @!p1 $0x1082;
	[sflag:s4] =	ssyncset.s32 $0xFFFFF086  }
0x25: {  	[simem:s6], [sflag:s4] =	dma.local [hbm:s3], $0xF7A  }
0x26: {  	[smem:$0x3F96] =	sst s1;
	(tag) =	ssettag s2;
	_ =	strace s9  }
0x27: {  	s1 =	sld [smem:$0x3FA6]  }
0x28: {  	s2 =	sld [smem:$0x3FA7]  }
0x29: {  	s4 =	sld [smem:$0x3FA9]  }
0x2a: {  	p0 =	seq.s32 s5, $0x0;
	s5 =	sld [smem:$0x3FAA]  }
0x2b: {  	s6 =	sld [smem:$0x3FAB]  }
0x2c: {  	s7 =	sld [smem:$0x3FAC]  }
0x2d: {  	s3 =	simm.s32 $0x108;
	s8 =	sld [smem:$0x3FAD]  }
0x2e: {  	s3 =	simm.s32 @!p0 $0x1082;
	s9 =	sld [smem:$0x3FAE]  }
0x2f: {  	lr =	sadd.s32 s0, s3;
	s0 =	sld [smem:$0x3FA5]  }
0x30: {  	s3 =	sld [smem:$0x3FA8]  }
0x31: {  	[smem:$0x3FB1] =	sst s10  }
0x32: {  	s10 =	sld [smem:$0x3FAF];
	_ =	sdelay $0x3  }
0x33: {  	p0 =	seq.s32 s10, $0x1;
	s10 =	sld [smem:$0x3FB1];
	_ =	sdelay $0x3  }
0x34: {  	[smem:$0x3FB1] =	sst s10  }
0x35: {  	s10 =	sld [smem:$0x3FB0];
	_ =	sdelay $0x3  }
0x36: {  	p1 =	seq.s32 s10, $0x1;
	s10 =	sld [smem:$0x3FB1];
	_ =	sdelay $0x3  }
0x37: {  	[smem:$0x3FB1] =	sst s10  }
0x38: {  	s10 =	sld [smem:$0x3FB2]  }
0x39: {  	_ = 	snop;
	(pc) =	sbr.ind lr, $3  }
0x3a: {  	_ = 	snop  }
0x3b: {  	_ = 	snop  }
0x3c: {  	p2 =	seq.s32 s10, $0x1;
	s10 =	sld [smem:$0x3FB1]  }
0x3d: {  	_ =	shalt  }
0x3e: {  	_ =	shalt  }
0x3f: {  	_ =	shalt  }
0x40: {  	_ =	shalt  }
0x41: {  	_ =	shalt  }
0x42: {  	_ =	shalt  }
0x43: {  	_ =	shalt  }
0x44: {  	_ =	shalt  }
0x45: {  	_ =	shalt  }
0x46: {  	_ =	shalt  }
0x47: {  	_ =	shalt  }
0x48: {  	_ =	shalt  }
0x49: {  	_ =	shalt  }
0x4a: {  	_ =	shalt  }
0x4b: {  	_ =	shalt  }
0x4c: {  	_ =	shalt  }
0x4d: {  	_ =	shalt  }
0x4e: {  	_ =	shalt  }
0x4f: {  	_ =	shalt  }
0x50: {  	_ =	shalt  }
0x51: {  	_ =	shalt  }
0x52: {  	_ =	shalt  }
0x53: {  	_ =	shalt  }
0x54: {  	_ =	shalt  }
0x55: {  	_ =	shalt  }
0x56: {  	_ =	shalt  }
0x57: {  	_ =	shalt  }
0x58: {  	_ =	shalt  }
0x59: {  	_ =	shalt  }
0x5a: {  	_ =	shalt  }
0x5b: {  	_ =	shalt  }
0x5c: {  	_ =	shalt  }
0x5d: {  	_ =	shalt  }
0x5e: {  	_ =	shalt  }
0x5f: {  	_ =	shalt  }
0x60: {  	_ =	shalt  }
0x61: {  	_ =	shalt  }
0x62: {  	_ =	shalt  }
0x63: {  	_ =	shalt  }
0x64: {  	_ =	shalt  }
0x65: {  	_ =	shalt  }
0x66: {  	_ =	shalt  }
0x67: {  	_ =	shalt  }
0x68: {  	_ =	shalt  }
0x69: {  	_ =	shalt  }
0x6a: {  	_ =	shalt  }
0x6b: {  	_ =	shalt  }
0x6c: {  	_ =	shalt  }
0x6d: {  	_ =	shalt  }
0x6e: {  	_ =	shalt  }
0x6f: {  	_ =	shalt  }
0x70: {  	_ =	shalt  }
0x71: {  	_ =	shalt  }
0x72: {  	_ =	shalt  }
0x73: {  	_ =	shalt  }
0x74: {  	_ =	shalt  }
0x75: {  	_ =	shalt  }
0x76: {  	_ =	shalt  }
0x77: {  	_ =	shalt  }
0x78: {  	_ =	shalt  }
0x79: {  	_ =	shalt  }
0x7a: {  	_ =	shalt  }
0x7b: {  	_ =	shalt  }
0x7c: {  	_ =	shalt  }
0x7d: {  	_ =	shalt  }
0x7e: {  	_ =	shalt  }
0x7f: {  	_ =	shalt  }
0x80: {  	_ =	shalt  }
0x81: {  	_ =	shalt  }
0x82: {  	_ =	shalt  }
0x83: {  	_ =	shalt  }
0x84: {  	_ =	shalt  }
0x85: {  	_ =	shalt  }
0x86: {  	_ =	shalt  }
0x87: {  	_ =	shalt  }
.Lfunc_end0:
.L_simem_size_0:
called_computation_lowered:
.L_overlay_start_0:
0x88: {  	s2 =	sld [smem:$0x3FD9]  }
0x89: {  	s3 =	sld [smem:$0x3FFE];
	_ =	sdelay $0x1  }
0x8a: {  	s1 =	srdreg.scid  }
0x8b: {  	s0 =	sand.u32 $0x1, s1  }
0x8c: {  	s17 =	sshll.u32 s0, $0xA;
	s2 =	sadd.s32 s3, s2  }
0x8d: {  	s2 =	sadd.s32 s2, s17  }
0x8e: {  	[smem:$0x3FBD] =	sst s2  }
0x8f: {  	_ = 	snop  }
0x90: {  	s2 =	sld [smem:$0x3FC7]  }
0x91: {  	s18 =	sld [smem:$0x3FD0];
	(tm) =	ssettm $0x1  }
0x92: {  	s4 =	sld [smem:$0x3FFB];
	_ =	sdelay $0x3  }
0x93: {  	_ =	strace s4  }
0x94: {  	s4 =	sld [smem:$0x3FFC];
	_ =	sdelay $0x3  }
0x95: {  	_ =	strace s4  }
0x96: {  	s4 =	sld [smem:$0x3FFD];
	_ =	sdelay $0x3  }
0x97: {  	_ =	strace s4  }
0x98: {  	_ =	strace $0x8FFFFFFF  }
0x99: {  	s19 =	sld [smem:$0x3FDB];
	_ =	sdelay $0x1  }
0x9a: {  	s5 =	simm.s32 $_scs_section_size  }
0x9b: {  	s6 =	simm.s32 $_size__tile_overlayer_lowered;
	s7 =	simm.s32 $_tile_overlayer_lowered  }
0x9c: {  	s22 =	simm.s32 $0x1BFF;
	s21 =	sshll.u32 s7, $0x1;
	s4 =	sadd.s32 s5, s19  }
0x9d: {  	s8 =	simm.s32 $0x0;
	s20 =	sshll.u32 s6, $0x1;
	s6 =	sadd.s32 s21, s4  }
0x9e: {  	[timem:s8], [sflag:s22] =	dma.local [hbm:s6], s20  }
0x9f: {  	_ =	swait.ge [sflag:s22], s20  }
0xa0: {  	s5 =	ssub.s32 $0x0, s20;
	[sflag:s22] =	ssyncset.done $0x0  }
0xa1: {  	[sflag:s22] =	ssyncadd.s32 s5;
	_ =	sdelay $0x1  }
0xa2: {  	s23 =	simm.s32 $0x1B8B  }
0xa3: {  	_ =	swait.ge [sflag:s23], $0x1  }
0xa4: {  	[sflag:s23] =	ssyncset.done $0x0  }
0xa5: {  	s25 =	simm.s32 $0x1B8E;
	s24 =	sld [smem:$0x3FFE];
	[sflag:s23] =	ssyncadd.s32 $0xFFFFFFFF  }
0xa6: {  	s26 =	simm.s32 $execute0_lowered;
	[smem:$0x3FD2] =	sst s25  }
0xa7: {  	s6 =	sshll.u32 s26, $0x1;
	_ =	strace $0x80000046;
	[dreg:$0x1] =	wrdreg $0xFFFFFFFF  }
0xa8: {  	s28 =	simm.s32 $_size_execute0_lowered;
	s4 =	sadd.s32 s4, s6;
	[dreg:$0x0] =	wrdreg $0x0  }
0xa9: {  	s6 =	sshll.u32 s28, $0x1;
	[dreg:$0x2] =	wrdreg s4  }
0xaa: {  	[dreg:$0x3] =	wrdreg s6  }
0xab: {  	[dreg:$0x4] =	wrdreg $0xC0  }
0xac: {  	_ =	task [dreg:s8], $0x5FFFF  }
0xad: {  	[dreg:$0x1] =	wrdreg $0xFFFFFFFF  }
0xae: {  	[dreg:$0x0] =	wrdreg $0x60  }
0xaf: {  	[dreg:$0x2] =	wrdreg s18  }
0xb0: {  	[dreg:$0x3] =	wrdreg s2  }
0xb1: {  	[dreg:$0x4] =	wrdreg s24  }
0xb2: {  	[dreg:$0x5] =	wrdreg $0x9  }
0xb3: {  	_ =	task.clear_ibuf [dreg:s8], $0x6FFFF;
	_ =	strace $0x90000046  }
0xb4: {  	s29 =	simm.s32 $0x9;
	_ =	strace $0x80000048  }
0xb5: {  	_ =	swait.ge [sflag:s29], $0x1  }
0xb6: {  	[sflag:s29] =	ssyncadd.s32 $0xFFFFFFFF  }
0xb7: {  	_ =	strace $0x90000048  }
0xb8: {  	_ =	sfence  }
0xb9: {  	s30 =	sld [smem:$0x0];
	_ =	sdelay $0x2  }
0xba: {  	s31 =	sshll.u32 s1, $0xD;
	s1 =	sshrl.u32 s1, $0x2  }
0xbb: {  	s3 =	sand.u32 $0x4000, s31;
	s1 =	sadd.s32 s1, s30  }
0xbc: {  	s0 =	sor.u32 s3, s0;
	s1 =	sshll.u32 s1, $0x11  }
0xbd: {  	s0 =	sor.u32 s1, s0  }
0xbe: {  	s0 =	sadd.s32 $0x8F2B, s0  }
0xbf: {  	[sflag:s0] =	ssyncadd.remote.s32 $0x1  }
0xc0: {  	_ =	sfence.sel $0xFFFF  }
0xc1: {  	[dreg:$0x0] =	wrdreg $0xFFFFFFFF;
	(pc) =	sbr.abs _section_cstart, $3  }
0xc2: {  	[dreg:$0x1] =	wrdreg $0xFFFFFFFF  }
0xc3: {  	_ =	task.clear_ibuf [dreg:s8], $0x2FFFF;
	_ =	strace $0x9FFFFFFF  }
0xc4: {  	(tm) =	ssettm $0x7FFFFFFF  }
0xc5: {  	_ =	shalt  }
tec
execute0_lowered:
.L_overlay_start_1:
0x0: {  	(tag) =	ssettag $0x1  }
0x1: {  	s1 =	srdreg.scid;
	s0 =	stileid.u32  }
0x2: {  	s14 =	rddreg [dreg:$0x0];
	s15 =	sand.u32 $0x1, s1;
	s26 =	sshll.u32 s0, $0x1  }
0x3: {  	s2 =	rddreg [dreg:$0x1];
	s9 =	sor.u32 s15, s26  }
0x4: {  	s10 =	rddreg [dreg:$0x2];
	s16 =	smul.u32 $0x140, s9  }
0x5: {  	s3 =	simm.s32 $0x0;
	s1 =	rddreg [dreg:$0x3]  }
0x6: {  	[smem:$0x7FF] =	sst s3;
	s4 =	sshrl.u32 s16, $0x3  }
0x7: {  	_ =	strace $0x80000047;
	s5 =	sadd.s32 s14, s4;
	s4 =	simm.s32 $0x2  }
0x8: {  	[tilespmem:s3], [sflag:$0x2] =	stream.linear.gather [hbm4b:s5+s3], $0x50, $0x38;
	[tilespmem:$0x2880] =	vst v63  }
0x9: {  	_ =	swait.ge [sflag:s4], $0x50  }
0xa: {  	s6 =	simm.s32 $0x50;
	[sflag:s4] =	ssyncset.done $0x0  }
0xb: {  	s7 =	simm.s32 $0x80;
	s8 =	simm.s32 $0x1;
	[sflag:s4] =	ssyncadd.s32 $0xFFFFFFB0  }
0xc: {  	[tilespmem:s7], [sflag:$0x1] =	stream.indirect.gather [hbm4b:s2+s6], $0x80, s3, s6, $0xb8;
	[tilespmem:$0x2880] =	vst v63  }
0xd: {  	s9 =	smul.u32 $0x1400, s9;
	_ =	swait.ge [sflag:s8], $0x2800  }
0xe: {  	s17 =	sadd.s32 $0x1400, s10;
	[sflag:s8] =	ssyncset.done $0x0  }
0xf: {  	s9 =	sadd.s32 s17, s9;
	[sflag:s8] =	ssyncadd.s32 $0xFFFFD800  }
0x10: {  	[hbm4b:s9+s3] =	stream.linear.scatter [tilespmem:s7], [sflag:$0x2], $0x2800, $0x38;
	[tilespmem:$0x2880] =	vst v63  }
0x11: {  	s11 =	sadd.s32 $0x50, s16;
	_ =	swait.ge [sflag:s4], $0x2800  }
0x12: {  	s28 =	sshrl.u32 s11, $0x3;
	[sflag:s4] =	ssyncset.done $0x0  }
0x13: {  	s10 =	sadd.s32 s14, s28;
	[sflag:s4] =	ssyncadd.s32 $0xFFFFD800  }
0x14: {  	[tilespmem:s3], [sflag:$0x2] =	stream.linear.gather [hbm4b:s10+s3], $0x50, $0x38;
	[tilespmem:$0x2880] =	vst v63  }
0x15: {  	_ =	swait.ge [sflag:s4], $0x50  }
0x16: {  	[sflag:s4] =	ssyncset.done $0x0  }
0x17: {  	[sflag:s4] =	ssyncadd.s32 $0xFFFFFFB0  }
0x18: {  	[tilespmem:s7], [sflag:$0x1] =	stream.indirect.gather [hbm4b:s2+s6], $0x80, s3, s6, $0xb8;
	[tilespmem:$0x2880] =	vst v63  }
0x19: {  	_ =	swait.ge [sflag:s8], $0x2800  }
0x1a: {  	s11 =	sshll.u32 s11, $0x4;
	[sflag:s8] =	ssyncset.done $0x0  }
0x1b: {  	s11 =	sadd.s32 s17, s11;
	[sflag:s8] =	ssyncadd.s32 $0xFFFFD800  }
0x1c: {  	[hbm4b:s11+s3] =	stream.linear.scatter [tilespmem:s7], [sflag:$0x2], $0x2800, $0x38;
	[tilespmem:$0x2880] =	vst v63  }
0x1d: {  	s13 =	sadd.s32 $0xA0, s16;
	_ =	swait.ge [sflag:s4], $0x2800  }
0x1e: {  	s12 =	sshrl.u32 s13, $0x3;
	[sflag:s4] =	ssyncset.done $0x0  }
0x1f: {  	s12 =	sadd.s32 s14, s12;
	[sflag:s4] =	ssyncadd.s32 $0xFFFFD800  }
0x20: {  	[tilespmem:s3], [sflag:$0x2] =	stream.linear.gather [hbm4b:s12+s3], $0x50, $0x38;
	[tilespmem:$0x2880] =	vst v63  }
0x21: {  	_ =	swait.ge [sflag:s4], $0x50  }
0x22: {  	[sflag:s4] =	ssyncset.done $0x0  }
0x23: {  	[sflag:s4] =	ssyncadd.s32 $0xFFFFFFB0  }
0x24: {  	[tilespmem:s7], [sflag:$0x1] =	stream.indirect.gather [hbm4b:s2+s6], $0x80, s3, s6, $0xb8;
	[tilespmem:$0x2880] =	vst v63  }
0x25: {  	_ =	swait.ge [sflag:s8], $0x2800  }
0x26: {  	s13 =	sshll.u32 s13, $0x4;
	[sflag:s8] =	ssyncset.done $0x0  }
0x27: {  	s13 =	sadd.s32 s17, s13;
	[sflag:s8] =	ssyncadd.s32 $0xFFFFD800  }
0x28: {  	[hbm4b:s13+s3] =	stream.linear.scatter [tilespmem:s7], [sflag:$0x2], $0x2800, $0x38;
	[tilespmem:$0x2880] =	vst v63  }
0x29: {  	s16 =	sadd.s32 $0xF0, s16;
	_ =	swait.ge [sflag:s4], $0x2800  }
0x2a: {  	s18 =	sshrl.u32 s16, $0x3;
	[sflag:s4] =	ssyncset.done $0x0  }
0x2b: {  	s15 =	ssub.s32 $0x2, s15;
	s14 =	sadd.s32 s14, s18;
	[sflag:s4] =	ssyncadd.s32 $0xFFFFD800  }
0x2c: {  	[tilespmem:s3], [sflag:$0x2] =	stream.linear.gather [hbm4b:s14+s3], $0x50, $0x38;
	[tilespmem:$0x2880] =	vst v63  }
0x2d: {  	s29 =	sshrl.u32 s15, $0x1;
	_ =	swait.ge [sflag:s4], $0x50  }
0x2e: {  	s18 =	ssub.s32 s15, s29;
	[sflag:s4] =	ssyncset.done $0x0  }
0x2f: {  	s31 =	smax.u32 s18, $0x1;
	[sflag:s4] =	ssyncadd.s32 $0xFFFFFFB0  }
0x30: {  	[tilespmem:s7], [sflag:$0x1] =	stream.indirect.gather [hbm4b:s2+s6], $0x80, s3, s6, $0xb8;
	[tilespmem:$0x2880] =	vst v63  }
0x31: {  	p0 =	sne.s32 s31, $0x1;
	_ =	swait.ge [sflag:s8], $0x2800  }
.Ltmp0:
0x32: {  	s30 =	sshll.u32 s16, $0x4;
	[sflag:s8] =	ssyncset.done $0x0;
	(pc) =	sbr.rel @!p0 .LBB2_2-.Ltmp0, $4  }
0x33: {  	s15 =	sadd.s32 s17, s30;
	[sflag:s8] =	ssyncadd.s32 $0xFFFFD800  }
0x34: {  	[hbm4b:s15+s3] =	stream.linear.scatter [tilespmem:s7], [sflag:$0x2], $0x2800, $0x38;
	[tilespmem:$0x2880] =	vst v63  }
0x35: {  	_ =	swait.ge [sflag:s4], $0x2800  }
0x36: {  	s16 =	sadd.s32 $0xFFFFFFFF, s31;
	[sflag:s4] =	ssyncset.done $0x0  }
.LBB2_1:
0x37: {  	p0 =	sne.s32 s16, $0x1;
	s16 =	sadd.s32 $0xFFFFFFFF, s16;
	[sflag:s4] =	ssyncadd.s32 $0xFFFFD800  }
0x38: {  	[tilespmem:s3], [sflag:$0x2] =	stream.linear.gather [hbm4b:s5+s3], $0x50, $0x38;
	[tilespmem:$0x2880] =	vst v63  }
0x39: {  	_ =	swait.ge [sflag:s4], $0x50  }
0x3a: {  	[sflag:s4] =	ssyncset.done $0x0  }
0x3b: {  	[sflag:s4] =	ssyncadd.s32 $0xFFFFFFB0  }
0x3c: {  	[tilespmem:s7], [sflag:$0x1] =	stream.indirect.gather [hbm4b:s2+s6], $0x80, s3, s6, $0xb8;
	[tilespmem:$0x2880] =	vst v63  }
0x3d: {  	_ =	swait.ge [sflag:s8], $0x2800  }
0x3e: {  	[sflag:s8] =	ssyncset.done $0x0  }
0x3f: {  	[sflag:s8] =	ssyncadd.s32 $0xFFFFD800  }
0x40: {  	[hbm4b:s9+s3] =	stream.linear.scatter [tilespmem:s7], [sflag:$0x2], $0x2800, $0x38;
	[tilespmem:$0x2880] =	vst v63  }
0x41: {  	_ =	swait.ge [sflag:s4], $0x2800  }
0x42: {  	[sflag:s4] =	ssyncset.done $0x0  }
0x43: {  	[sflag:s4] =	ssyncadd.s32 $0xFFFFD800  }
0x44: {  	[tilespmem:s3], [sflag:$0x2] =	stream.linear.gather [hbm4b:s10+s3], $0x50, $0x38;
	[tilespmem:$0x2880] =	vst v63  }
0x45: {  	_ =	swait.ge [sflag:s4], $0x50  }
0x46: {  	[sflag:s4] =	ssyncset.done $0x0  }
0x47: {  	[sflag:s4] =	ssyncadd.s32 $0xFFFFFFB0  }
0x48: {  	[tilespmem:s7], [sflag:$0x1] =	stream.indirect.gather [hbm4b:s2+s6], $0x80, s3, s6, $0xb8;
	[tilespmem:$0x2880] =	vst v63  }
0x49: {  	_ =	swait.ge [sflag:s8], $0x2800  }
0x4a: {  	[sflag:s8] =	ssyncset.done $0x0  }
0x4b: {  	[sflag:s8] =	ssyncadd.s32 $0xFFFFD800  }
0x4c: {  	[hbm4b:s11+s3] =	stream.linear.scatter [tilespmem:s7], [sflag:$0x2], $0x2800, $0x38;
	[tilespmem:$0x2880] =	vst v63  }
0x4d: {  	_ =	swait.ge [sflag:s4], $0x2800  }
0x4e: {  	[sflag:s4] =	ssyncset.done $0x0  }
0x4f: {  	[sflag:s4] =	ssyncadd.s32 $0xFFFFD800  }
0x50: {  	[tilespmem:s3], [sflag:$0x2] =	stream.linear.gather [hbm4b:s12+s3], $0x50, $0x38;
	[tilespmem:$0x2880] =	vst v63  }
0x51: {  	_ =	swait.ge [sflag:s4], $0x50  }
0x52: {  	[sflag:s4] =	ssyncset.done $0x0  }
0x53: {  	[sflag:s4] =	ssyncadd.s32 $0xFFFFFFB0  }
0x54: {  	[tilespmem:s7], [sflag:$0x1] =	stream.indirect.gather [hbm4b:s2+s6], $0x80, s3, s6, $0xb8;
	[tilespmem:$0x2880] =	vst v63  }
0x55: {  	_ =	swait.ge [sflag:s8], $0x2800  }
0x56: {  	[sflag:s8] =	ssyncset.done $0x0  }
0x57: {  	[sflag:s8] =	ssyncadd.s32 $0xFFFFD800  }
0x58: {  	[hbm4b:s13+s3] =	stream.linear.scatter [tilespmem:s7], [sflag:$0x2], $0x2800, $0x38;
	[tilespmem:$0x2880] =	vst v63  }
0x59: {  	_ =	swait.ge [sflag:s4], $0x2800  }
0x5a: {  	[sflag:s4] =	ssyncset.done $0x0  }
0x5b: {  	[sflag:s4] =	ssyncadd.s32 $0xFFFFD800  }
0x5c: {  	[tilespmem:s3], [sflag:$0x2] =	stream.linear.gather [hbm4b:s14+s3], $0x50, $0x38;
	[tilespmem:$0x2880] =	vst v63  }
0x5d: {  	_ =	swait.ge [sflag:s4], $0x50  }
0x5e: {  	[sflag:s4] =	ssyncset.done $0x0  }
0x5f: {  	[sflag:s4] =	ssyncadd.s32 $0xFFFFFFB0  }
0x60: {  	[tilespmem:s7], [sflag:$0x1] =	stream.indirect.gather [hbm4b:s2+s6], $0x80, s3, s6, $0xb8;
	[tilespmem:$0x2880] =	vst v63  }
0x61: {  	_ =	swait.ge [sflag:s8], $0x2800  }
.Ltmp1:
0x62: {  	[sflag:s8] =	ssyncset.done $0x0;
	(pc) =	sbr.rel @p0 .LBB2_1-.Ltmp1, $4  }
0x63: {  	[sflag:s8] =	ssyncadd.s32 $0xFFFFD800  }
0x64: {  	[hbm4b:s15+s3] =	stream.linear.scatter [tilespmem:s7], [sflag:$0x2], $0x2800, $0x38;
	[tilespmem:$0x2880] =	vst v63  }
0x65: {  	_ =	swait.ge [sflag:s4], $0x2800  }
0x66: {  	[sflag:s4] =	ssyncset.done $0x0  }
.LBB2_2:
0x67: {  	[sflag:s4] =	ssyncadd.s32 $0xFFFFD800  }
0x68: {  	_ =	sfence.sel $0x180000  }
0x69: {  	[bflag:$0x0] =	sbarrier.arrive $0xFFFF  }
0x6a: {  	p0 =	sne.s32 s0, $0x0;
	_ =	strace $0x90000047  }
0x6b: {  	s0 =	sadd.s32 @!p0 $0x100000, s1;
	[bflag:$0x2] =	sbarrier.arrive $0xFFFF  }
0x6c: {  	[sflag:s0] =	ssyncadd.tile.s32 @!p0 $0x1;
	_ =	shalt  }
.Lfunc_end2:
_tile_overlayer_lowered:
.L_overlay_start_2:
0x6d: {  	(tag) =	ssettag $0x2  }
0x6e: {  	s0 =	rddreg [dreg:$0x0];
	s2 =	stileid.u32  }
0x6f: {  	s1 =	rddreg [dreg:$0x1];
	p0 =	sne.s32 s2, $0x0  }
0x70: {  	s3 =	rddreg [dreg:$0x2];
	[bflag:$0x3] =	sbarrier.arrive $0xFFFF;
	s2 =	simm.s32 @!p0 $0x1C02  }
0x71: {  	[timem:s3], [sflag:s2] =	dma.local @!p0 [hbm:s0], s1  }
0x72: {  	s0 =	simm.s32 @!p0 $0x2  }
0x73: {  	_ =	swait.ge @!p0 [sflag:s0], s1  }
0x74: {  	s1 =	ssub.s32 @!p0 $0x0, s1;
	[sflag:s0] =	ssyncset.done @!p0 $0x0  }
0x75: {  	[sflag:s0] =	ssyncadd.s32 @!p0 s1  }
0x76: {  	[bflag:$0x3] =	sbarrier.arrive $0xFFFF  }
0x77: {  	_ =	shalt  }

</sc_bundles>
